<compile_context>
chip_gen: v7x
topology: tpu7x:2x2x1
jax: 0.10.2.dev20260603
libtpu: 0.0.44.dev20260713+nightly
codegen_flags: <defaults>
</compile_context>

<pallas_src>
import functools

import jax
import jax.numpy as jnp
from jax import lax
from jax.experimental import pallas as pl
from jax.experimental.pallas import tpu as pltpu
from jax.experimental.pallas import tpu_sc as plsc

_NC = 2
_NS = 16
_NW = _NC * _NS
_E = 32
_K = 4
_ROWS = 4 * 8192
_ROWS_PER_W = _ROWS // _NW
_LANES = 16


def _sc_partial_counts(xt):
    mesh = plsc.VectorSubcoreMesh(core_axis_name="c", subcore_axis_name="s")

    @functools.partial(
        pl.kernel,
        mesh=mesh,
        out_type=jax.ShapeDtypeStruct((_NW, _LANES), jnp.int32),
        scratch_types=[
            pltpu.VMEM((_E, _ROWS_PER_W), jnp.float32),
            pltpu.VMEM((_LANES,), jnp.int32),
        ],
    )
    def k(xt_hbm, out_hbm, xv, accv):
        wid = lax.axis_index("s") * _NC + lax.axis_index("c")
        base = wid * _ROWS_PER_W
        pltpu.sync_copy(xt_hbm.at[:, pl.ds(base, _ROWS_PER_W)], xv)

        neg = jnp.full((_LANES,), -jnp.inf, jnp.float32)
        zero = jnp.zeros((_LANES,), jnp.int32)
        one = jnp.ones((_LANES,), jnp.int32)

        _U = 4

        def body(b, accs):
            out = []
            for g in range(_U):
                b0 = (b * _U + g) * _LANES
                acc = accs[g]
                t1 = neg
                t2 = neg
                t3 = neg
                t4 = neg
                for c in range(_E):
                    v = xv[c, pl.ds(b0, _LANES)]
                    m1 = jnp.minimum(t1, v)
                    t1 = jnp.maximum(t1, v)
                    m2 = jnp.minimum(t2, m1)
                    t2 = jnp.maximum(t2, m1)
                    m3 = jnp.minimum(t3, m2)
                    t3 = jnp.maximum(t3, m2)
                    t4 = jnp.maximum(t4, m3)
                for t in (t1, t2, t3, t4):
                    acc = acc + jnp.where(t > neg, one, zero)
                out.append(acc)
            return tuple(out)

        accs = lax.fori_loop(
            0, _ROWS_PER_W // (_LANES * _U), body, (zero,) * _U
        )
        acc = accs[0] + accs[1] + (accs[2] + accs[3])
        accv[...] = acc
        pltpu.sync_copy(accv, out_hbm.at[wid])

    return k(xt)


def _tc_total(parts):
    def k(p_ref, o_ref):
        o_ref[0, 0] = jnp.sum(p_ref[...])

    return pl.pallas_call(
        k,
        out_shape=jax.ShapeDtypeStruct((1, 1), jnp.int32),
        out_specs=pl.BlockSpec(memory_space=pltpu.SMEM),
    )(parts)


def kernel(x):
    xt = x.reshape(_ROWS, _E).T
    parts = _sc_partial_counts(xt)
    return _tc_total(parts)[0, 0]

# --- scband reference (transcript-rebuilt; emitter-appended) ---
"""Pipeline reference for scband-fmod-11879879542394 (READ-ONLY COPY).

The authoritative reference and input builder live on the scoring server;
editing this copy changes nothing except your own understanding.
"""

import jax, jax.numpy as jnp
import numpy as np


def setup_inputs(seed: int = 0) -> dict:
    key = jax.random.key(seed)
    x = jax.random.normal(key, (4, 8192, 32), dtype=jnp.float32)
    return {"x": x}


def reference(x):
    # torch.topk(x, 4, dim=-1) -> values, indices
    routing_weights, selected_experts = jax.lax.top_k(x, 4)
    # F.one_hot(selected_experts, 32)
    one_hot_encoded = jax.nn.one_hot(selected_experts, 32, dtype=jnp.int32)
    return jnp.sum(one_hot_encoded)

if __name__ == "__main__":
    import jax
    _d = setup_inputs()
    print(jax.jit(kernel)(*tuple(_d.values())))

</pallas_src>

<mosaic_0001>
#map = affine_map<(d0, d1) -> (0, 0)>
module attributes {stable_mosaic.version = 14 : i64} {
  func.func @k(%arg0: i32, %arg1: i32, %arg2: memref<32x32768xf32, #tpu.memory_space<hbm>>, %arg3: memref<32x16xi32, #tpu.memory_space<hbm>>, %arg4: memref<32x1024xf32, #tpu.memory_space<vmem>>, %arg5: memref<16xi32, #tpu.memory_space<vmem>>) attributes {dimension_semantics = [#tpu.dimension_semantics<core_parallel>, #tpu.dimension_semantics<subcore_parallel>], iteration_bounds = array<i64: 2, 16>, scalar_prefetch = 0 : i64, scratch_operands = 2 : i64, tpu.core_type = #tpu.core_type<sc_vector_subcore>, window_params = [{transform_indices = #map}, {transform_indices = #map}]} {
    %mul3A = arith.constant 2 : i32
    %mul3A_0 = arith.muli %arg1, %mul3A : i32
    %add3A = arith.addi %mul3A_0, %arg0 : i32
    %mul3A_1 = arith.constant 1024 : i32
    %mul3A_2 = arith.muli %add3A, %mul3A_1 : i32
    "tpu.region"() ({
      %run_scoped3A = tpu.sem_alloc : memref<!tpu.dma_semaphore, #tpu.memory_space<semaphore_mem>>
      %dma_start3A = arith.constant 0 : i32
      %dma_start3A_19 = tpu.memref_slice %arg2[%dma_start3A, %mul3A_2] : memref<32x32768xf32, #tpu.memory_space<hbm>> -> memref<32x1024xf32, #tpu.memory_space<hbm>>
      %dma_start3A_20 = arith.constant 0 : i32
      %dma_start3A_21 = tpu.memref_slice %arg2[%dma_start3A_20, %mul3A_2] : memref<32x32768xf32, #tpu.memory_space<hbm>> -> memref<32x1024xf32, #tpu.memory_space<hbm>>
      tpu.enqueue_dma source(%dma_start3A_21 : memref<32x1024xf32, #tpu.memory_space<hbm>>) target(%arg4 : memref<32x1024xf32, #tpu.memory_space<vmem>>) target_semaphore(%run_scoped3A : memref<!tpu.dma_semaphore, #tpu.memory_space<semaphore_mem>>)
      %dma_wait3A = arith.constant 0 : i32
      %dma_wait3A_22 = tpu.memref_slice %arg2[%dma_wait3A, %mul3A_2] : memref<32x32768xf32, #tpu.memory_space<hbm>> -> memref<32x1024xf32, #tpu.memory_space<hbm>>
      %dma_wait3A_23 = arith.constant 0 : i32
      %dma_wait3A_24 = tpu.memref_slice %arg2[%dma_wait3A_23, %mul3A_2] : memref<32x32768xf32, #tpu.memory_space<hbm>> -> memref<32x1024xf32, #tpu.memory_space<hbm>>
      tpu.wait_dma2 semaphore(%run_scoped3A : memref<!tpu.dma_semaphore, #tpu.memory_space<semaphore_mem>>) src(%dma_wait3A_24 : memref<32x1024xf32, #tpu.memory_space<hbm>>) dst(%arg4 : memref<32x1024xf32, #tpu.memory_space<vmem>>)
      tpu.yield
    }) : () -> ()
    %broadcast_in_dim3A = arith.constant 0xFF800000 : f32
    %broadcast_in_dim3A_3 = vector.broadcast %broadcast_in_dim3A : f32 to vector<16xf32>
    %broadcast_in_dim3A_4 = arith.constant 0 : i32
    %broadcast_in_dim3A_5 = vector.broadcast %broadcast_in_dim3A_4 : i32 to vector<16xi32>
    %broadcast_in_dim3A_6 = arith.constant 1 : i32
    %broadcast_in_dim3A_7 = vector.broadcast %broadcast_in_dim3A_6 : i32 to vector<16xi32>
    %scan3A = arith.constant 0 : i32
    %scan3A_8 = arith.constant 16 : i32
    %scan3A_9 = arith.addi %scan3A, %scan3A_8 : i32
    %scan3A_10 = arith.constant 1 : i32
    %scan3A_11:4 = scf.for %scan3A_19 = %scan3A to %scan3A_9 step %scan3A_10 iter_args(%scan3A_20 = %broadcast_in_dim3A_5, %scan3A_21 = %broadcast_in_dim3A_5, %scan3A_22 = %broadcast_in_dim3A_5, %scan3A_23 = %broadcast_in_dim3A_5) -> (vector<16xi32>, vector<16xi32>, vector<16xi32>, vector<16xi32>)  : i32 {
      %mul3A_24 = arith.constant 4 : i32
      %mul3A_25 = arith.muli %scan3A_19, %mul3A_24 : i32
      %add3A_26 = arith.constant 0 : i32
      %add3A_27 = arith.addi %mul3A_25, %add3A_26 : i32
      %mul3A_28 = arith.constant 16 : i32
      %mul3A_29 = arith.muli %add3A_27, %mul3A_28 : i32
      %get3A = arith.constant 0 : i32
      %get3A_30 = arith.index_cast %get3A : i32 to index
      %get3A_31 = arith.index_cast %mul3A_29 : i32 to index
      %get3A_32 = tpu.vector_load %arg4[%get3A_30, %get3A_31] {strides = array<i32>} : memref<32x1024xf32, #tpu.memory_space<vmem>>, vector<1x16xf32>,
      %get3A_33 = vector.shape_cast %get3A_32 : vector<1x16xf32> to vector<16xf32>
      %min3A = arith.minimumf %broadcast_in_dim3A_3, %get3A_33 : vector<16xf32>
      %max3A = arith.maximumf %broadcast_in_dim3A_3, %get3A_33 : vector<16xf32>
      %min3A_34 = arith.minimumf %broadcast_in_dim3A_3, %min3A : vector<16xf32>
      %max3A_35 = arith.maximumf %broadcast_in_dim3A_3, %min3A : vector<16xf32>
      %min3A_36 = arith.minimumf %broadcast_in_dim3A_3, %min3A_34 : vector<16xf32>
      %max3A_37 = arith.maximumf %broadcast_in_dim3A_3, %min3A_34 : vector<16xf32>
      %max3A_38 = arith.maximumf %broadcast_in_dim3A_3, %min3A_36 : vector<16xf32>
      %get3A_39 = arith.constant 1 : i32
      %get3A_40 = arith.index_cast %get3A_39 : i32 to index
      %get3A_41 = arith.index_cast %mul3A_29 : i32 to index
      %get3A_42 = tpu.vector_load %arg4[%get3A_40, %get3A_41] {strides = array<i32>} : memref<32x1024xf32, #tpu.memory_space<vmem>>, vector<1x16xf32>,
      %get3A_43 = vector.shape_cast %get3A_42 : vector<1x16xf32> to vector<16xf32>
      %min3A_44 = arith.minimumf %max3A, %get3A_43 : vector<16xf32>
      %max3A_45 = arith.maximumf %max3A, %get3A_43 : vector<16xf32>
      %min3A_46 = arith.minimumf %max3A_35, %min3A_44 : vector<16xf32>
      %max3A_47 = arith.maximumf %max3A_35, %min3A_44 : vector<16xf32>
      %min3A_48 = arith.minimumf %max3A_37, %min3A_46 : vector<16xf32>
      %max3A_49 = arith.maximumf %max3A_37, %min3A_46 : vector<16xf32>
      %max3A_50 = arith.maximumf %max3A_38, %min3A_48 : vector<16xf32>
      %get3A_51 = arith.constant 2 : i32
      %get3A_52 = arith.index_cast %get3A_51 : i32 to index
      %get3A_53 = arith.index_cast %mul3A_29 : i32 to index
      %get3A_54 = tpu.vector_load %arg4[%get3A_52, %get3A_53] {strides = array<i32>} : memref<32x1024xf32, #tpu.memory_space<vmem>>, vector<1x16xf32>,
      %get3A_55 = vector.shape_cast %get3A_54 : vector<1x16xf32> to vector<16xf32>
      %min3A_56 = arith.minimumf %max3A_45, %get3A_55 : vector<16xf32>
      %max3A_57 = arith.maximumf %max3A_45, %get3A_55 : vector<16xf32>
      %min3A_58 = arith.minimumf %max3A_47, %min3A_56 : vector<16xf32>
      %max3A_59 = arith.maximumf %max3A_47, %min3A_56 : vector<16xf32>
      %min3A_60 = arith.minimumf %max3A_49, %min3A_58 : vector<16xf32>
      %max3A_61 = arith.maximumf %max3A_49, %min3A_58 : vector<16xf32>
      %max3A_62 = arith.maximumf %max3A_50, %min3A_60 : vector<16xf32>
      %get3A_63 = arith.constant 3 : i32
      %get3A_64 = arith.index_cast %get3A_63 : i32 to index
      %get3A_65 = arith.index_cast %mul3A_29 : i32 to index
      %get3A_66 = tpu.vector_load %arg4[%get3A_64, %get3A_65] {strides = array<i32>} : memref<32x1024xf32, #tpu.memory_space<vmem>>, vector<1x16xf32>,
      %get3A_67 = vector.shape_cast %get3A_66 : vector<1x16xf32> to vector<16xf32>
      %min3A_68 = arith.minimumf %max3A_57, %get3A_67 : vector<16xf32>
      %max3A_69 = arith.maximumf %max3A_57, %get3A_67 : vector<16xf32>
      %min3A_70 = arith.minimumf %max3A_59, %min3A_68 : vector<16xf32>
      %max3A_71 = arith.maximumf %max3A_59, %min3A_68 : vector<16xf32>
      %min3A_72 = arith.minimumf %max3A_61, %min3A_70 : vector<16xf32>
      %max3A_73 = arith.maximumf %max3A_61, %min3A_70 : vector<16xf32>
      %max3A_74 = arith.maximumf %max3A_62, %min3A_72 : vector<16xf32>
      %get3A_75 = arith.constant 4 : i32
      %get3A_76 = arith.index_cast %get3A_75 : i32 to index
      %get3A_77 = arith.index_cast %mul3A_29 : i32 to index
      %get3A_78 = tpu.vector_load %arg4[%get3A_76, %get3A_77] {strides = array<i32>} : memref<32x1024xf32, #tpu.memory_space<vmem>>, vector<1x16xf32>,
      %get3A_79 = vector.shape_cast %get3A_78 : vector<1x16xf32> to vector<16xf32>
      %min3A_80 = arith.minimumf %max3A_69, %get3A_79 : vector<16xf32>
      %max3A_81 = arith.maximumf %max3A_69, %get3A_79 : vector<16xf32>
      %min3A_82 = arith.minimumf %max3A_71, %min3A_80 : vector<16xf32>
      %max3A_83 = arith.maximumf %max3A_71, %min3A_80 : vector<16xf32>
      %min3A_84 = arith.minimumf %max3A_73, %min3A_82 : vector<16xf32>
      %max3A_85 = arith.maximumf %max3A_73, %min3A_82 : vector<16xf32>
      %max3A_86 = arith.maximumf %max3A_74, %min3A_84 : vector<16xf32>
      %get3A_87 = arith.constant 5 : i32
      %get3A_88 = arith.index_cast %get3A_87 : i32 to index
      %get3A_89 = arith.index_cast %mul3A_29 : i32 to index
      %get3A_90 = tpu.vector_load %arg4[%get3A_88, %get3A_89] {strides = array<i32>} : memref<32x1024xf32, #tpu.memory_space<vmem>>, vector<1x16xf32>,
      %get3A_91 = vector.shape_cast %get3A_90 : vector<1x16xf32> to vector<16xf32>
      %min3A_92 = arith.minimumf %max3A_81, %get3A_91 : vector<16xf32>
      %max3A_93 = arith.maximumf %max3A_81, %get3A_91 : vector<16xf32>
      %min3A_94 = arith.minimumf %max3A_83, %min3A_92 : vector<16xf32>
      %max3A_95 = arith.maximumf %max3A_83, %min3A_92 : vector<16xf32>
      %min3A_96 = arith.minimumf %max3A_85, %min3A_94 : vector<16xf32>
      %max3A_97 = arith.maximumf %max3A_85, %min3A_94 : vector<16xf32>
      %max3A_98 = arith.maximumf %max3A_86, %min3A_96 : vector<16xf32>
      %get3A_99 = arith.constant 6 : i32
      %get3A_100 = arith.index_cast %get3A_99 : i32 to index
      %get3A_101 = arith.index_cast %mul3A_29 : i32 to index
      %get3A_102 = tpu.vector_load %arg4[%get3A_100, %get3A_101] {strides = array<i32>} : memref<32x1024xf32, #tpu.memory_space<vmem>>, vector<1x16xf32>,
      %get3A_103 = vector.shape_cast %get3A_102 : vector<1x16xf32> to vector<16xf32>
      %min3A_104 = arith.minimumf %max3A_93, %get3A_103 : vector<16xf32>
      %max3A_105 = arith.maximumf %max3A_93, %get3A_103 : vector<16xf32>
      %min3A_106 = arith.minimumf %max3A_95, %min3A_104 : vector<16xf32>
      %max3A_107 = arith.maximumf %max3A_95, %min3A_104 : vector<16xf32>
      %min3A_108 = arith.minimumf %max3A_97, %min3A_106 : vector<16xf32>
      %max3A_109 = arith.maximumf %max3A_97, %min3A_106 : vector<16xf32>
      %max3A_110 = arith.maximumf %max3A_98, %min3A_108 : vector<16xf32>
      %get3A_111 = arith.constant 7 : i32
      %get3A_112 = arith.index_cast %get3A_111 : i32 to index
      %get3A_113 = arith.index_cast %mul3A_29 : i32 to index
      %get3A_114 = tpu.vector_load %arg4[%get3A_112, %get3A_113] {strides = array<i32>} : memref<32x1024xf32, #tpu.memory_space<vmem>>, vector<1x16xf32>,
      %get3A_115 = vector.shape_cast %get3A_114 : vector<1x16xf32> to vector<16xf32>
      %min3A_116 = arith.minimumf %max3A_105, %get3A_115 : vector<16xf32>
      %max3A_117 = arith.maximumf %max3A_105, %get3A_115 : vector<16xf32>
      %min3A_118 = arith.minimumf %max3A_107, %min3A_116 : vector<16xf32>
      %max3A_119 = arith.maximumf %max3A_107, %min3A_116 : vector<16xf32>
      %min3A_120 = arith.minimumf %max3A_109, %min3A_118 : vector<16xf32>
      %max3A_121 = arith.maximumf %max3A_109, %min3A_118 : vector<16xf32>
      %max3A_122 = arith.maximumf %max3A_110, %min3A_120 : vector<16xf32>
      %get3A_123 = arith.constant 8 : i32
      %get3A_124 = arith.index_cast %get3A_123 : i32 to index
      %get3A_125 = arith.index_cast %mul3A_29 : i32 to index
      %get3A_126 = tpu.vector_load %arg4[%get3A_124, %get3A_125] {strides = array<i32>} : memref<32x1024xf32, #tpu.memory_space<vmem>>, vector<1x16xf32>,
      %get3A_127 = vector.shape_cast %get3A_126 : vector<1x16xf32> to vector<16xf32>
      %min3A_128 = arith.minimumf %max3A_117, %get3A_127 : vector<16xf32>
      %max3A_129 = arith.maximumf %max3A_117, %get3A_127 : vector<16xf32>
      %min3A_130 = arith.minimumf %max3A_119, %min3A_128 : vector<16xf32>
      %max3A_131 = arith.maximumf %max3A_119, %min3A_128 : vector<16xf32>
      %min3A_132 = arith.minimumf %max3A_121, %min3A_130 : vector<16xf32>
      %max3A_133 = arith.maximumf %max3A_121, %min3A_130 : vector<16xf32>
      %max3A_134 = arith.maximumf %max3A_122, %min3A_132 : vector<16xf32>
      %get3A_135 = arith.constant 9 : i32
      %get3A_136 = arith.index_cast %get3A_135 : i32 to index
      %get3A_137 = arith.index_cast %mul3A_29 : i32 to index
      %get3A_138 = tpu.vector_load %arg4[%get3A_136, %get3A_137] {strides = array<i32>} : memref<32x1024xf32, #tpu.memory_space<vmem>>, vector<1x16xf32>,
      %get3A_139 = vector.shape_cast %get3A_138 : vector<1x16xf32> to vector<16xf32>
      %min3A_140 = arith.minimumf %max3A_129, %get3A_139 : vector<16xf32>
      %max3A_141 = arith.maximumf %max3A_129, %get3A_139 : vector<16xf32>
      %min3A_142 = arith.minimumf %max3A_131, %min3A_140 : vector<16xf32>
      %max3A_143 = arith.maximumf %max3A_131, %min3A_140 : vector<16xf32>
      %min3A_144 = arith.minimumf %max3A_133, %min3A_142 : vector<16xf32>
      %max3A_145 = arith.maximumf %max3A_133, %min3A_142 : vector<16xf32>
      %max3A_146 = arith.maximumf %max3A_134, %min3A_144 : vector<16xf32>
      %get3A_147 = arith.constant 10 : i32
      %get3A_148 = arith.index_cast %get3A_147 : i32 to index
      %get3A_149 = arith.index_cast %mul3A_29 : i32 to index
      %get3A_150 = tpu.vector_load %arg4[%get3A_148, %get3A_149] {strides = array<i32>} : memref<32x1024xf32, #tpu.memory_space<vmem>>, vector<1x16xf32>,
      %get3A_151 = vector.shape_cast %get3A_150 : vector<1x16xf32> to vector<16xf32>
      %min3A_152 = arith.minimumf %max3A_141, %get3A_151 : vector<16xf32>
      %max3A_153 = arith.maximumf %max3A_141, %get3A_151 : vector<16xf32>
      %min3A_154 = arith.minimumf %max3A_143, %min3A_152 : vector<16xf32>
      %max3A_155 = arith.maximumf %max3A_143, %min3A_152 : vector<16xf32>
      %min3A_156 = arith.minimumf %max3A_145, %min3A_154 : vector<16xf32>
      %max3A_157 = arith.maximumf %max3A_145, %min3A_154 : vector<16xf32>
      %max3A_158 = arith.maximumf %max3A_146, %min3A_156 : vector<16xf32>
      %get3A_159 = arith.constant 11 : i32
      %get3A_160 = arith.index_cast %get3A_159 : i32 to index
      %get3A_161 = arith.index_cast %mul3A_29 : i32 to index
      %get3A_162 = tpu.vector_load %arg4[%get3A_160, %get3A_161] {strides = array<i32>} : memref<32x1024xf32, #tpu.memory_space<vmem>>, vector<1x16xf32>,
      %get3A_163 = vector.shape_cast %get3A_162 : vector<1x16xf32> to vector<16xf32>
      %min3A_164 = arith.minimumf %max3A_153, %get3A_163 : vector<16xf32>
      %max3A_165 = arith.maximumf %max3A_153, %get3A_163 : vector<16xf32>
      %min3A_166 = arith.minimumf %max3A_155, %min3A_164 : vector<16xf32>
      %max3A_167 = arith.maximumf %max3A_155, %min3A_164 : vector<16xf32>
      %min3A_168 = arith.minimumf %max3A_157, %min3A_166 : vector<16xf32>
      %max3A_169 = arith.maximumf %max3A_157, %min3A_166 : vector<16xf32>
      %max3A_170 = arith.maximumf %max3A_158, %min3A_168 : vector<16xf32>
      %get3A_171 = arith.constant 12 : i32
      %get3A_172 = arith.index_cast %get3A_171 : i32 to index
      %get3A_173 = arith.index_cast %mul3A_29 : i32 to index
      %get3A_174 = tpu.vector_load %arg4[%get3A_172, %get3A_173] {strides = array<i32>} : memref<32x1024xf32, #tpu.memory_space<vmem>>, vector<1x16xf32>,
      %get3A_175 = vector.shape_cast %get3A_174 : vector<1x16xf32> to vector<16xf32>
      %min3A_176 = arith.minimumf %max3A_165, %get3A_175 : vector<16xf32>
      %max3A_177 = arith.maximumf %max3A_165, %get3A_175 : vector<16xf32>
      %min3A_178 = arith.minimumf %max3A_167, %min3A_176 : vector<16xf32>
      %max3A_179 = arith.maximumf %max3A_167, %min3A_176 : vector<16xf32>
      %min3A_180 = arith.minimumf %max3A_169, %min3A_178 : vector<16xf32>
      %max3A_181 = arith.maximumf %max3A_169, %min3A_178 : vector<16xf32>
      %max3A_182 = arith.maximumf %max3A_170, %min3A_180 : vector<16xf32>
      %get3A_183 = arith.constant 13 : i32
      %get3A_184 = arith.index_cast %get3A_183 : i32 to index
      %get3A_185 = arith.index_cast %mul3A_29 : i32 to index
      %get3A_186 = tpu.vector_load %arg4[%get3A_184, %get3A_185] {strides = array<i32>} : memref<32x1024xf32, #tpu.memory_space<vmem>>, vector<1x16xf32>,
      %get3A_187 = vector.shape_cast %get3A_186 : vector<1x16xf32> to vector<16xf32>
      %min3A_188 = arith.minimumf %max3A_177, %get3A_187 : vector<16xf32>
      %max3A_189 = arith.maximumf %max3A_177, %get3A_187 : vector<16xf32>
      %min3A_190 = arith.minimumf %max3A_179, %min3A_188 : vector<16xf32>
      %max3A_191 = arith.maximumf %max3A_179, %min3A_188 : vector<16xf32>
      %min3A_192 = arith.minimumf %max3A_181, %min3A_190 : vector<16xf32>
      %max3A_193 = arith.maximumf %max3A_181, %min3A_190 : vector<16xf32>
      %max3A_194 = arith.maximumf %max3A_182, %min3A_192 : vector<16xf32>
      %get3A_195 = arith.constant 14 : i32
      %get3A_196 = arith.index_cast %get3A_195 : i32 to index
      %get3A_197 = arith.index_cast %mul3A_29 : i32 to index
      %get3A_198 = tpu.vector_load %arg4[%get3A_196, %get3A_197] {strides = array<i32>} : memref<32x1024xf32, #tpu.memory_space<vmem>>, vector<1x16xf32>,
      %get3A_199 = vector.shape_cast %get3A_198 : vector<1x16xf32> to vector<16xf32>
      %min3A_200 = arith.minimumf %max3A_189, %get3A_199 : vector<16xf32>
      %max3A_201 = arith.maximumf %max3A_189, %get3A_199 : vector<16xf32>
      %min3A_202 = arith.minimumf %max3A_191, %min3A_200 : vector<16xf32>
      %max3A_203 = arith.maximumf %max3A_191, %min3A_200 : vector<16xf32>
      %min3A_204 = arith.minimumf %max3A_193, %min3A_202 : vector<16xf32>
      %max3A_205 = arith.maximumf %max3A_193, %min3A_202 : vector<16xf32>
      %max3A_206 = arith.maximumf %max3A_194, %min3A_204 : vector<16xf32>
      %get3A_207 = arith.constant 15 : i32
      %get3A_208 = arith.index_cast %get3A_207 : i32 to index
      %get3A_209 = arith.index_cast %mul3A_29 : i32 to index
      %get3A_210 = tpu.vector_load %arg4[%get3A_208, %get3A_209] {strides = array<i32>} : memref<32x1024xf32, #tpu.memory_space<vmem>>, vector<1x16xf32>,
      %get3A_211 = vector.shape_cast %get3A_210 : vector<1x16xf32> to vector<16xf32>
      %min3A_212 = arith.minimumf %max3A_201, %get3A_211 : vector<16xf32>
      %max3A_213 = arith.maximumf %max3A_201, %get3A_211 : vector<16xf32>
      %min3A_214 = arith.minimumf %max3A_203, %min3A_212 : vector<16xf32>
      %max3A_215 = arith.maximumf %max3A_203, %min3A_212 : vector<16xf32>
      %min3A_216 = arith.minimumf %max3A_205, %min3A_214 : vector<16xf32>
      %max3A_217 = arith.maximumf %max3A_205, %min3A_214 : vector<16xf32>
      %max3A_218 = arith.maximumf %max3A_206, %min3A_216 : vector<16xf32>
      %get3A_219 = arith.constant 16 : i32
      %get3A_220 = arith.index_cast %get3A_219 : i32 to index
      %get3A_221 = arith.index_cast %mul3A_29 : i32 to index
      %get3A_222 = tpu.vector_load %arg4[%get3A_220, %get3A_221] {strides = array<i32>} : memref<32x1024xf32, #tpu.memory_space<vmem>>, vector<1x16xf32>,
      %get3A_223 = vector.shape_cast %get3A_222 : vector<1x16xf32> to vector<16xf32>
      %min3A_224 = arith.minimumf %max3A_213, %get3A_223 : vector<16xf32>
      %max3A_225 = arith.maximumf %max3A_213, %get3A_223 : vector<16xf32>
      %min3A_226 = arith.minimumf %max3A_215, %min3A_224 : vector<16xf32>
      %max3A_227 = arith.maximumf %max3A_215, %min3A_224 : vector<16xf32>
      %min3A_228 = arith.minimumf %max3A_217, %min3A_226 : vector<16xf32>
      %max3A_229 = arith.maximumf %max3A_217, %min3A_226 : vector<16xf32>
      %max3A_230 = arith.maximumf %max3A_218, %min3A_228 : vector<16xf32>
      %get3A_231 = arith.constant 17 : i32
      %get3A_232 = arith.index_cast %get3A_231 : i32 to index
      %get3A_233 = arith.index_cast %mul3A_29 : i32 to index
      %get3A_234 = tpu.vector_load %arg4[%get3A_232, %get3A_233] {strides = array<i32>} : memref<32x1024xf32, #tpu.memory_space<vmem>>, vector<1x16xf32>,
      %get3A_235 = vector.shape_cast %get3A_234 : vector<1x16xf32> to vector<16xf32>
      %min3A_236 = arith.minimumf %max3A_225, %get3A_235 : vector<16xf32>
      %max3A_237 = arith.maximumf %max3A_225, %get3A_235 : vector<16xf32>
      %min3A_238 = arith.minimumf %max3A_227, %min3A_236 : vector<16xf32>
      %max3A_239 = arith.maximumf %max3A_227, %min3A_236 : vector<16xf32>
      %min3A_240 = arith.minimumf %max3A_229, %min3A_238 : vector<16xf32>
      %max3A_241 = arith.maximumf %max3A_229, %min3A_238 : vector<16xf32>
      %max3A_242 = arith.maximumf %max3A_230, %min3A_240 : vector<16xf32>
      %get3A_243 = arith.constant 18 : i32
      %get3A_244 = arith.index_cast %get3A_243 : i32 to index
      %get3A_245 = arith.index_cast %mul3A_29 : i32 to index
      %get3A_246 = tpu.vector_load %arg4[%get3A_244, %get3A_245] {strides = array<i32>} : memref<32x1024xf32, #tpu.memory_space<vmem>>, vector<1x16xf32>,
      %get3A_247 = vector.shape_cast %get3A_246 : vector<1x16xf32> to vector<16xf32>
      %min3A_248 = arith.minimumf %max3A_237, %get3A_247 : vector<16xf32>
      %max3A_249 = arith.maximumf %max3A_237, %get3A_247 : vector<16xf32>
      %min3A_250 = arith.minimumf %max3A_239, %min3A_248 : vector<16xf32>
      %max3A_251 = arith.maximumf %max3A_239, %min3A_248 : vector<16xf32>
      %min3A_252 = arith.minimumf %max3A_241, %min3A_250 : vector<16xf32>
      %max3A_253 = arith.maximumf %max3A_241, %min3A_250 : vector<16xf32>
      %max3A_254 = arith.maximumf %max3A_242, %min3A_252 : vector<16xf32>
      %get3A_255 = arith.constant 19 : i32
      %get3A_256 = arith.index_cast %get3A_255 : i32 to index
      %get3A_257 = arith.index_cast %mul3A_29 : i32 to index
      %get3A_258 = tpu.vector_load %arg4[%get3A_256, %get3A_257] {strides = array<i32>} : memref<32x1024xf32, #tpu.memory_space<vmem>>, vector<1x16xf32>,
      %get3A_259 = vector.shape_cast %get3A_258 : vector<1x16xf32> to vector<16xf32>
      %min3A_260 = arith.minimumf %max3A_249, %get3A_259 : vector<16xf32>
      %max3A_261 = arith.maximumf %max3A_249, %get3A_259 : vector<16xf32>
      %min3A_262 = arith.minimumf %max3A_251, %min3A_260 : vector<16xf32>
      %max3A_263 = arith.maximumf %max3A_251, %min3A_260 : vector<16xf32>
      %min3A_264 = arith.minimumf %max3A_253, %min3A_262 : vector<16xf32>
      %max3A_265 = arith.maximumf %max3A_253, %min3A_262 : vector<16xf32>
      %max3A_266 = arith.maximumf %max3A_254, %min3A_264 : vector<16xf32>
      %get3A_267 = arith.constant 20 : i32
      %get3A_268 = arith.index_cast %get3A_267 : i32 to index
      %get3A_269 = arith.index_cast %mul3A_29 : i32 to index
      %get3A_270 = tpu.vector_load %arg4[%get3A_268, %get3A_269] {strides = array<i32>} : memref<32x1024xf32, #tpu.memory_space<vmem>>, vector<1x16xf32>,
      %get3A_271 = vector.shape_cast %get3A_270 : vector<1x16xf32> to vector<16xf32>
      %min3A_272 = arith.minimumf %max3A_261, %get3A_271 : vector<16xf32>
      %max3A_273 = arith.maximumf %max3A_261, %get3A_271 : vector<16xf32>
      %min3A_274 = arith.minimumf %max3A_263, %min3A_272 : vector<16xf32>
      %max3A_275 = arith.maximumf %max3A_263, %min3A_272 : vector<16xf32>
      %min3A_276 = arith.minimumf %max3A_265, %min3A_274 : vector<16xf32>
      %max3A_277 = arith.maximumf %max3A_265, %min3A_274 : vector<16xf32>
      %max3A_278 = arith.maximumf %max3A_266, %min3A_276 : vector<16xf32>
      %get3A_279 = arith.constant 21 : i32
      %get3A_280 = arith.index_cast %get3A_279 : i32 to index
      %get3A_281 = arith.index_cast %mul3A_29 : i32 to index
      %get3A_282 = tpu.vector_load %arg4[%get3A_280, %get3A_281] {strides = array<i32>} : memref<32x1024xf32, #tpu.memory_space<vmem>>, vector<1x16xf32>,
      %get3A_283 = vector.shape_cast %get3A_282 : vector<1x16xf32> to vector<16xf32>
      %min3A_284 = arith.minimumf %max3A_273, %get3A_283 : vector<16xf32>
      %max3A_285 = arith.maximumf %max3A_273, %get3A_283 : vector<16xf32>
      %min3A_286 = arith.minimumf %max3A_275, %min3A_284 : vector<16xf32>
      %max3A_287 = arith.maximumf %max3A_275, %min3A_284 : vector<16xf32>
      %min3A_288 = arith.minimumf %max3A_277, %min3A_286 : vector<16xf32>
      %max3A_289 = arith.maximumf %max3A_277, %min3A_286 : vector<16xf32>
      %max3A_290 = arith.maximumf %max3A_278, %min3A_288 : vector<16xf32>
      %get3A_291 = arith.constant 22 : i32
      %get3A_292 = arith.index_cast %get3A_291 : i32 to index
      %get3A_293 = arith.index_cast %mul3A_29 : i32 to index
      %get3A_294 = tpu.vector_load %arg4[%get3A_292, %get3A_293] {strides = array<i32>} : memref<32x1024xf32, #tpu.memory_space<vmem>>, vector<1x16xf32>,
      %get3A_295 = vector.shape_cast %get3A_294 : vector<1x16xf32> to vector<16xf32>
      %min3A_296 = arith.minimumf %max3A_285, %get3A_295 : vector<16xf32>
      %max3A_297 = arith.maximumf %max3A_285, %get3A_295 : vector<16xf32>
      %min3A_298 = arith.minimumf %max3A_287, %min3A_296 : vector<16xf32>
      %max3A_299 = arith.maximumf %max3A_287, %min3A_296 : vector<16xf32>
      %min3A_300 = arith.minimumf %max3A_289, %min3A_298 : vector<16xf32>
      %max3A_301 = arith.maximumf %max3A_289, %min3A_298 : vector<16xf32>
      %max3A_302 = arith.maximumf %max3A_290, %min3A_300 : vector<16xf32>
      %get3A_303 = arith.constant 23 : i32
      %get3A_304 = arith.index_cast %get3A_303 : i32 to index
      %get3A_305 = arith.index_cast %mul3A_29 : i32 to index
      %get3A_306 = tpu.vector_load %arg4[%get3A_304, %get3A_305] {strides = array<i32>} : memref<32x1024xf32, #tpu.memory_space<vmem>>, vector<1x16xf32>,
      %get3A_307 = vector.shape_cast %get3A_306 : vector<1x16xf32> to vector<16xf32>
      %min3A_308 = arith.minimumf %max3A_297, %get3A_307 : vector<16xf32>
      %max3A_309 = arith.maximumf %max3A_297, %get3A_307 : vector<16xf32>
      %min3A_310 = arith.minimumf %max3A_299, %min3A_308 : vector<16xf32>
      %max3A_311 = arith.maximumf %max3A_299, %min3A_308 : vector<16xf32>
      %min3A_312 = arith.minimumf %max3A_301, %min3A_310 : vector<16xf32>
      %max3A_313 = arith.maximumf %max3A_301, %min3A_310 : vector<16xf32>
      %max3A_314 = arith.maximumf %max3A_302, %min3A_312 : vector<16xf32>
      %get3A_315 = arith.constant 24 : i32
      %get3A_316 = arith.index_cast %get3A_315 : i32 to index
      %get3A_317 = arith.index_cast %mul3A_29 : i32 to index
      %get3A_318 = tpu.vector_load %arg4[%get3A_316, %get3A_317] {strides = array<i32>} : memref<32x1024xf32, #tpu.memory_space<vmem>>, vector<1x16xf32>,
      %get3A_319 = vector.shape_cast %get3A_318 : vector<1x16xf32> to vector<16xf32>
      %min3A_320 = arith.minimumf %max3A_309, %get3A_319 : vector<16xf32>
      %max3A_321 = arith.maximumf %max3A_309, %get3A_319 : vector<16xf32>
      %min3A_322 = arith.minimumf %max3A_311, %min3A_320 : vector<16xf32>
      %max3A_323 = arith.maximumf %max3A_311, %min3A_320 : vector<16xf32>
      %min3A_324 = arith.minimumf %max3A_313, %min3A_322 : vector<16xf32>
      %max3A_325 = arith.maximumf %max3A_313, %min3A_322 : vector<16xf32>
      %max3A_326 = arith.maximumf %max3A_314, %min3A_324 : vector<16xf32>
      %get3A_327 = arith.constant 25 : i32
      %get3A_328 = arith.index_cast %get3A_327 : i32 to index
      %get3A_329 = arith.index_cast %mul3A_29 : i32 to index
      %get3A_330 = tpu.vector_load %arg4[%get3A_328, %get3A_329] {strides = array<i32>} : memref<32x1024xf32, #tpu.memory_space<vmem>>, vector<1x16xf32>,
      %get3A_331 = vector.shape_cast %get3A_330 : vector<1x16xf32> to vector<16xf32>
      %min3A_332 = arith.minimumf %max3A_321, %get3A_331 : vector<16xf32>
      %max3A_333 = arith.maximumf %max3A_321, %get3A_331 : vector<16xf32>
      %min3A_334 = arith.minimumf %max3A_323, %min3A_332 : vector<16xf32>
      %max3A_335 = arith.maximumf %max3A_323, %min3A_332 : vector<16xf32>
      %min3A_336 = arith.minimumf %max3A_325, %min3A_334 : vector<16xf32>
      %max3A_337 = arith.maximumf %max3A_325, %min3A_334 : vector<16xf32>
      %max3A_338 = arith.maximumf %max3A_326, %min3A_336 : vector<16xf32>
      %get3A_339 = arith.constant 26 : i32
      %get3A_340 = arith.index_cast %get3A_339 : i32 to index
      %get3A_341 = arith.index_cast %mul3A_29 : i32 to index
      %get3A_342 = tpu.vector_load %arg4[%get3A_340, %get3A_341] {strides = array<i32>} : memref<32x1024xf32, #tpu.memory_space<vmem>>, vector<1x16xf32>,
      %get3A_343 = vector.shape_cast %get3A_342 : vector<1x16xf32> to vector<16xf32>
      %min3A_344 = arith.minimumf %max3A_333, %get3A_343 : vector<16xf32>
      %max3A_345 = arith.maximumf %max3A_333, %get3A_343 : vector<16xf32>
      %min3A_346 = arith.minimumf %max3A_335, %min3A_344 : vector<16xf32>
      %max3A_347 = arith.maximumf %max3A_335, %min3A_344 : vector<16xf32>
      %min3A_348 = arith.minimumf %max3A_337, %min3A_346 : vector<16xf32>
      %max3A_349 = arith.maximumf %max3A_337, %min3A_346 : vector<16xf32>
      %max3A_350 = arith.maximumf %max3A_338, %min3A_348 : vector<16xf32>
      %get3A_351 = arith.constant 27 : i32
      %get3A_352 = arith.index_cast %get3A_351 : i32 to index
      %get3A_353 = arith.index_cast %mul3A_29 : i32 to index
      %get3A_354 = tpu.vector_load %arg4[%get3A_352, %get3A_353] {strides = array<i32>} : memref<32x1024xf32, #tpu.memory_space<vmem>>, vector<1x16xf32>,
      %get3A_355 = vector.shape_cast %get3A_354 : vector<1x16xf32> to vector<16xf32>
      %min3A_356 = arith.minimumf %max3A_345, %get3A_355 : vector<16xf32>
      %max3A_357 = arith.maximumf %max3A_345, %get3A_355 : vector<16xf32>
      %min3A_358 = arith.minimumf %max3A_347, %min3A_356 : vector<16xf32>
      %max3A_359 = arith.maximumf %max3A_347, %min3A_356 : vector<16xf32>
      %min3A_360 = arith.minimumf %max3A_349, %min3A_358 : vector<16xf32>
      %max3A_361 = arith.maximumf %max3A_349, %min3A_358 : vector<16xf32>
      %max3A_362 = arith.maximumf %max3A_350, %min3A_360 : vector<16xf32>
      %get3A_363 = arith.constant 28 : i32
      %get3A_364 = arith.index_cast %get3A_363 : i32 to index
      %get3A_365 = arith.index_cast %mul3A_29 : i32 to index
      %get3A_366 = tpu.vector_load %arg4[%get3A_364, %get3A_365] {strides = array<i32>} : memref<32x1024xf32, #tpu.memory_space<vmem>>, vector<1x16xf32>,
      %get3A_367 = vector.shape_cast %get3A_366 : vector<1x16xf32> to vector<16xf32>
      %min3A_368 = arith.minimumf %max3A_357, %get3A_367 : vector<16xf32>
      %max3A_369 = arith.maximumf %max3A_357, %get3A_367 : vector<16xf32>
      %min3A_370 = arith.minimumf %max3A_359, %min3A_368 : vector<16xf32>
      %max3A_371 = arith.maximumf %max3A_359, %min3A_368 : vector<16xf32>
      %min3A_372 = arith.minimumf %max3A_361, %min3A_370 : vector<16xf32>
      %max3A_373 = arith.maximumf %max3A_361, %min3A_370 : vector<16xf32>
      %max3A_374 = arith.maximumf %max3A_362, %min3A_372 : vector<16xf32>
      %get3A_375 = arith.constant 29 : i32
      %get3A_376 = arith.index_cast %get3A_375 : i32 to index
      %get3A_377 = arith.index_cast %mul3A_29 : i32 to index
      %get3A_378 = tpu.vector_load %arg4[%get3A_376, %get3A_377] {strides = array<i32>} : memref<32x1024xf32, #tpu.memory_space<vmem>>, vector<1x16xf32>,
      %get3A_379 = vector.shape_cast %get3A_378 : vector<1x16xf32> to vector<16xf32>
      %min3A_380 = arith.minimumf %max3A_369, %get3A_379 : vector<16xf32>
      %max3A_381 = arith.maximumf %max3A_369, %get3A_379 : vector<16xf32>
      %min3A_382 = arith.minimumf %max3A_371, %min3A_380 : vector<16xf32>
      %max3A_383 = arith.maximumf %max3A_371, %min3A_380 : vector<16xf32>
      %min3A_384 = arith.minimumf %max3A_373, %min3A_382 : vector<16xf32>
      %max3A_385 = arith.maximumf %max3A_373, %min3A_382 : vector<16xf32>
      %max3A_386 = arith.maximumf %max3A_374, %min3A_384 : vector<16xf32>
      %get3A_387 = arith.constant 30 : i32
      %get3A_388 = arith.index_cast %get3A_387 : i32 to index
      %get3A_389 = arith.index_cast %mul3A_29 : i32 to index
      %get3A_390 = tpu.vector_load %arg4[%get3A_388, %get3A_389] {strides = array<i32>} : memref<32x1024xf32, #tpu.memory_space<vmem>>, vector<1x16xf32>,
      %get3A_391 = vector.shape_cast %get3A_390 : vector<1x16xf32> to vector<16xf32>
      %min3A_392 = arith.minimumf %max3A_381, %get3A_391 : vector<16xf32>
      %max3A_393 = arith.maximumf %max3A_381, %get3A_391 : vector<16xf32>
      %min3A_394 = arith.minimumf %max3A_383, %min3A_392 : vector<16xf32>
      %max3A_395 = arith.maximumf %max3A_383, %min3A_392 : vector<16xf32>
      %min3A_396 = arith.minimumf %max3A_385, %min3A_394 : vector<16xf32>
      %max3A_397 = arith.maximumf %max3A_385, %min3A_394 : vector<16xf32>
      %max3A_398 = arith.maximumf %max3A_386, %min3A_396 : vector<16xf32>
      %get3A_399 = arith.constant 31 : i32
      %get3A_400 = arith.index_cast %get3A_399 : i32 to index
      %get3A_401 = arith.index_cast %mul3A_29 : i32 to index
      %get3A_402 = tpu.vector_load %arg4[%get3A_400, %get3A_401] {strides = array<i32>} : memref<32x1024xf32, #tpu.memory_space<vmem>>, vector<1x16xf32>,
      %get3A_403 = vector.shape_cast %get3A_402 : vector<1x16xf32> to vector<16xf32>
      %min3A_404 = arith.minimumf %max3A_393, %get3A_403 : vector<16xf32>
      %max3A_405 = arith.maximumf %max3A_393, %get3A_403 : vector<16xf32>
      %min3A_406 = arith.minimumf %max3A_395, %min3A_404 : vector<16xf32>
      %max3A_407 = arith.maximumf %max3A_395, %min3A_404 : vector<16xf32>
      %min3A_408 = arith.minimumf %max3A_397, %min3A_406 : vector<16xf32>
      %max3A_409 = arith.maximumf %max3A_397, %min3A_406 : vector<16xf32>
      %max3A_410 = arith.maximumf %max3A_398, %min3A_408 : vector<16xf32>
      %gt3A = arith.cmpf ogt, %max3A_405, %broadcast_in_dim3A_3 : vector<16xf32>
      %select_n3A = arith.select %gt3A, %broadcast_in_dim3A_7, %broadcast_in_dim3A_5 : vector<16xi1>, vector<16xi32>
      %add3A_411 = arith.addi %scan3A_20, %select_n3A : vector<16xi32>
      %gt3A_412 = arith.cmpf ogt, %max3A_407, %broadcast_in_dim3A_3 : vector<16xf32>
      %select_n3A_413 = arith.select %gt3A_412, %broadcast_in_dim3A_7, %broadcast_in_dim3A_5 : vector<16xi1>, vector<16xi32>
      %add3A_414 = arith.addi %add3A_411, %select_n3A_413 : vector<16xi32>
      %gt3A_415 = arith.cmpf ogt, %max3A_409, %broadcast_in_dim3A_3 : vector<16xf32>
      %select_n3A_416 = arith.select %gt3A_415, %broadcast_in_dim3A_7, %broadcast_in_dim3A_5 : vector<16xi1>, vector<16xi32>
      %add3A_417 = arith.addi %add3A_414, %select_n3A_416 : vector<16xi32>
      %gt3A_418 = arith.cmpf ogt, %max3A_410, %broadcast_in_dim3A_3 : vector<16xf32>
      %select_n3A_419 = arith.select %gt3A_418, %broadcast_in_dim3A_7, %broadcast_in_dim3A_5 : vector<16xi1>, vector<16xi32>
      %add3A_420 = arith.addi %add3A_417, %select_n3A_419 : vector<16xi32>
      %mul3A_421 = arith.constant 4 : i32
      %mul3A_422 = arith.muli %scan3A_19, %mul3A_421 : i32
      %add3A_423 = arith.constant 1 : i32
      %add3A_424 = arith.addi %mul3A_422, %add3A_423 : i32
      %mul3A_425 = arith.constant 16 : i32
      %mul3A_426 = arith.muli %add3A_424, %mul3A_425 : i32
      %get3A_427 = arith.constant 0 : i32
      %get3A_428 = arith.index_cast %get3A_427 : i32 to index
      %get3A_429 = arith.index_cast %mul3A_426 : i32 to index
      %get3A_430 = tpu.vector_load %arg4[%get3A_428, %get3A_429] {strides = array<i32>} : memref<32x1024xf32, #tpu.memory_space<vmem>>, vector<1x16xf32>,
      %get3A_431 = vector.shape_cast %get3A_430 : vector<1x16xf32> to vector<16xf32>
      %min3A_432 = arith.minimumf %broadcast_in_dim3A_3, %get3A_431 : vector<16xf32>
      %max3A_433 = arith.maximumf %broadcast_in_dim3A_3, %get3A_431 : vector<16xf32>
      %min3A_434 = arith.minimumf %broadcast_in_dim3A_3, %min3A_432 : vector<16xf32>
      %max3A_435 = arith.maximumf %broadcast_in_dim3A_3, %min3A_432 : vector<16xf32>
      %min3A_436 = arith.minimumf %broadcast_in_dim3A_3, %min3A_434 : vector<16xf32>
      %max3A_437 = arith.maximumf %broadcast_in_dim3A_3, %min3A_434 : vector<16xf32>
      %max3A_438 = arith.maximumf %broadcast_in_dim3A_3, %min3A_436 : vector<16xf32>
      %get3A_439 = arith.constant 1 : i32
      %get3A_440 = arith.index_cast %get3A_439 : i32 to index
      %get3A_441 = arith.index_cast %mul3A_426 : i32 to index
      %get3A_442 = tpu.vector_load %arg4[%get3A_440, %get3A_441] {strides = array<i32>} : memref<32x1024xf32, #tpu.memory_space<vmem>>, vector<1x16xf32>,
      %get3A_443 = vector.shape_cast %get3A_442 : vector<1x16xf32> to vector<16xf32>
      %min3A_444 = arith.minimumf %max3A_433, %get3A_443 : vector<16xf32>
      %max3A_445 = arith.maximumf %max3A_433, %get3A_443 : vector<16xf32>
      %min3A_446 = arith.minimumf %max3A_435, %min3A_444 : vector<16xf32>
      %max3A_447 = arith.maximumf %max3A_435, %min3A_444 : vector<16xf32>
      %min3A_448 = arith.minimumf %max3A_437, %min3A_446 : vector<16xf32>
      %max3A_449 = arith.maximumf %max3A_437, %min3A_446 : vector<16xf32>
      %max3A_450 = arith.maximumf %max3A_438, %min3A_448 : vector<16xf32>
      %get3A_451 = arith.constant 2 : i32
      %get3A_452 = arith.index_cast %get3A_451 : i32 to index
      %get3A_453 = arith.index_cast %mul3A_426 : i32 to index
      %get3A_454 = tpu.vector_load %arg4[%get3A_452, %get3A_453] {strides = array<i32>} : memref<32x1024xf32, #tpu.memory_space<vmem>>, vector<1x16xf32>,
      %get3A_455 = vector.shape_cast %get3A_454 : vector<1x16xf32> to vector<16xf32>
      %min3A_456 = arith.minimumf %max3A_445, %get3A_455 : vector<16xf32>
      %max3A_457 = arith.maximumf %max3A_445, %get3A_455 : vector<16xf32>
      %min3A_458 = arith.minimumf %max3A_447, %min3A_456 : vector<16xf32>
      %max3A_459 = arith.maximumf %max3A_447, %min3A_456 : vector<16xf32>
      %min3A_460 = arith.minimumf %max3A_449, %min3A_458 : vector<16xf32>
      %max3A_461 = arith.maximumf %max3A_449, %min3A_458 : vector<16xf32>
      %max3A_462 = arith.maximumf %max3A_450, %min3A_460 : vector<16xf32>
      %get3A_463 = arith.constant 3 : i32
      %get3A_464 = arith.index_cast %get3A_463 : i32 to index
      %get3A_465 = arith.index_cast %mul3A_426 : i32 to index
      %get3A_466 = tpu.vector_load %arg4[%get3A_464, %get3A_465] {strides = array<i32>} : memref<32x1024xf32, #tpu.memory_space<vmem>>, vector<1x16xf32>,
      %get3A_467 = vector.shape_cast %get3A_466 : vector<1x16xf32> to vector<16xf32>
      %min3A_468 = arith.minimumf %max3A_457, %get3A_467 : vector<16xf32>
      %max3A_469 = arith.maximumf %max3A_457, %get3A_467 : vector<16xf32>
      %min3A_470 = arith.minimumf %max3A_459, %min3A_468 : vector<16xf32>
      %max3A_471 = arith.maximumf %max3A_459, %min3A_468 : vector<16xf32>
      %min3A_472 = arith.minimumf %max3A_461, %min3A_470 : vector<16xf32>
      %max3A_473 = arith.maximumf %max3A_461, %min3A_470 : vector<16xf32>
      %max3A_474 = arith.maximumf %max3A_462, %min3A_472 : vector<16xf32>
      %get3A_475 = arith.constant 4 : i32
      %get3A_476 = arith.index_cast %get3A_475 : i32 to index
      %get3A_477 = arith.index_cast %mul3A_426 : i32 to index
      %get3A_478 = tpu.vector_load %arg4[%get3A_476, %get3A_477] {strides = array<i32>} : memref<32x1024xf32, #tpu.memory_space<vmem>>, vector<1x16xf32>,
      %get3A_479 = vector.shape_cast %get3A_478 : vector<1x16xf32> to vector<16xf32>
      %min3A_480 = arith.minimumf %max3A_469, %get3A_479 : vector<16xf32>
      %max3A_481 = arith.maximumf %max3A_469, %get3A_479 : vector<16xf32>
      %min3A_482 = arith.minimumf %max3A_471, %min3A_480 : vector<16xf32>
      %max3A_483 = arith.maximumf %max3A_471, %min3A_480 : vector<16xf32>
      %min3A_484 = arith.minimumf %max3A_473, %min3A_482 : vector<16xf32>
      %max3A_485 = arith.maximumf %max3A_473, %min3A_482 : vector<16xf32>
      %max3A_486 = arith.maximumf %max3A_474, %min3A_484 : vector<16xf32>
      %get3A_487 = arith.constant 5 : i32
      %get3A_488 = arith.index_cast %get3A_487 : i32 to index
      %get3A_489 = arith.index_cast %mul3A_426 : i32 to index
      %get3A_490 = tpu.vector_load %arg4[%get3A_488, %get3A_489] {strides = array<i32>} : memref<32x1024xf32, #tpu.memory_space<vmem>>, vector<1x16xf32>,
      %get3A_491 = vector.shape_cast %get3A_490 : vector<1x16xf32> to vector<16xf32>
      %min3A_492 = arith.minimumf %max3A_481, %get3A_491 : vector<16xf32>
      %max3A_493 = arith.maximumf %max3A_481, %get3A_491 : vector<16xf32>
      %min3A_494 = arith.minimumf %max3A_483, %min3A_492 : vector<16xf32>
      %max3A_495 = arith.maximumf %max3A_483, %min3A_492 : vector<16xf32>
      %min3A_496 = arith.minimumf %max3A_485, %min3A_494 : vector<16xf32>
      %max3A_497 = arith.maximumf %max3A_485, %min3A_494 : vector<16xf32>
      %max3A_498 = arith.maximumf %max3A_486, %min3A_496 : vector<16xf32>
      %get3A_499 = arith.constant 6 : i32
      %get3A_500 = arith.index_cast %get3A_499 : i32 to index
      %get3A_501 = arith.index_cast %mul3A_426 : i32 to index
      %get3A_502 = tpu.vector_load %arg4[%get3A_500, %get3A_501] {strides = array<i32>} : memref<32x1024xf32, #tpu.memory_space<vmem>>, vector<1x16xf32>,
      %get3A_503 = vector.shape_cast %get3A_502 : vector<1x16xf32> to vector<16xf32>
      %min3A_504 = arith.minimumf %max3A_493, %get3A_503 : vector<16xf32>
      %max3A_505 = arith.maximumf %max3A_493, %get3A_503 : vector<16xf32>
      %min3A_506 = arith.minimumf %max3A_495, %min3A_504 : vector<16xf32>
      %max3A_507 = arith.maximumf %max3A_495, %min3A_504 : vector<16xf32>
      %min3A_508 = arith.minimumf %max3A_497, %min3A_506 : vector<16xf32>
      %max3A_509 = arith.maximumf %max3A_497, %min3A_506 : vector<16xf32>
      %max3A_510 = arith.maximumf %max3A_498, %min3A_508 : vector<16xf32>
      %get3A_511 = arith.constant 7 : i32
      %get3A_512 = arith.index_cast %get3A_511 : i32 to index
      %get3A_513 = arith.index_cast %mul3A_426 : i32 to index
      %get3A_514 = tpu.vector_load %arg4[%get3A_512, %get3A_513] {strides = array<i32>} : memref<32x1024xf32, #tpu.memory_space<vmem>>, vector<1x16xf32>,
      %get3A_515 = vector.shape_cast %get3A_514 : vector<1x16xf32> to vector<16xf32>
      %min3A_516 = arith.minimumf %max3A_505, %get3A_515 : vector<16xf32>
      %max3A_517 = arith.maximumf %max3A_505, %get3A_515 : vector<16xf32>
      %min3A_518 = arith.minimumf %max3A_507, %min3A_516 : vector<16xf32>
      %max3A_519 = arith.maximumf %max3A_507, %min3A_516 : vector<16xf32>
      %min3A_520 = arith.minimumf %max3A_509, %min3A_518 : vector<16xf32>
      %max3A_521 = arith.maximumf %max3A_509, %min3A_518 : vector<16xf32>
      %max3A_522 = arith.maximumf %max3A_510, %min3A_520 : vector<16xf32>
      %get3A_523 = arith.constant 8 : i32
      %get3A_524 = arith.index_cast %get3A_523 : i32 to index
      %get3A_525 = arith.index_cast %mul3A_426 : i32 to index
      %get3A_526 = tpu.vector_load %arg4[%get3A_524, %get3A_525] {strides = array<i32>} : memref<32x1024xf32, #tpu.memory_space<vmem>>, vector<1x16xf32>,
      %get3A_527 = vector.shape_cast %get3A_526 : vector<1x16xf32> to vector<16xf32>
      %min3A_528 = arith.minimumf %max3A_517, %get3A_527 : vector<16xf32>
      %max3A_529 = arith.maximumf %max3A_517, %get3A_527 : vector<16xf32>
      %min3A_530 = arith.minimumf %max3A_519, %min3A_528 : vector<16xf32>
      %max3A_531 = arith.maximumf %max3A_519, %min3A_528 : vector<16xf32>
      %min3A_532 = arith.minimumf %max3A_521, %min3A_530 : vector<16xf32>
      %max3A_533 = arith.maximumf %max3A_521, %min3A_530 : vector<16xf32>
      %max3A_534 = arith.maximumf %max3A_522, %min3A_532 : vector<16xf32>
      %get3A_535 = arith.constant 9 : i32
      %get3A_536 = arith.index_cast %get3A_535 : i32 to index
      %get3A_537 = arith.index_cast %mul3A_426 : i32 to index
      %get3A_538 = tpu.vector_load %arg4[%get3A_536, %get3A_537] {strides = array<i32>} : memref<32x1024xf32, #tpu.memory_space<vmem>>, vector<1x16xf32>,
      %get3A_539 = vector.shape_cast %get3A_538 : vector<1x16xf32> to vector<16xf32>
      %min3A_540 = arith.minimumf %max3A_529, %get3A_539 : vector<16xf32>
      %max3A_541 = arith.maximumf %max3A_529, %get3A_539 : vector<16xf32>
      %min3A_542 = arith.minimumf %max3A_531, %min3A_540 : vector<16xf32>
      %max3A_543 = arith.maximumf %max3A_531, %min3A_540 : vector<16xf32>
      %min3A_544 = arith.minimumf %max3A_533, %min3A_542 : vector<16xf32>
      %max3A_545 = arith.maximumf %max3A_533, %min3A_542 : vector<16xf32>
      %max3A_546 = arith.maximumf %max3A_534, %min3A_544 : vector<16xf32>
      %get3A_547 = arith.constant 10 : i32
      %get3A_548 = arith.index_cast %get3A_547 : i32 to index
      %get3A_549 = arith.index_cast %mul3A_426 : i32 to index
      %get3A_550 = tpu.vector_load %arg4[%get3A_548, %get3A_549] {strides = array<i32>} : memref<32x1024xf32, #tpu.memory_space<vmem>>, vector<1x16xf32>,
      %get3A_551 = vector.shape_cast %get3A_550 : vector<1x16xf32> to vector<16xf32>
      %min3A_552 = arith.minimumf %max3A_541, %get3A_551 : vector<16xf32>
      %max3A_553 = arith.maximumf %max3A_541, %get3A_551 : vector<16xf32>
      %min3A_554 = arith.minimumf %max3A_543, %min3A_552 : vector<16xf32>
      %max3A_555 = arith.maximumf %max3A_543, %min3A_552 : vector<16xf32>
      %min3A_556 = arith.minimumf %max3A_545, %min3A_554 : vector<16xf32>
      %max3A_557 = arith.maximumf %max3A_545, %min3A_554 : vector<16xf32>
      %max3A_558 = arith.maximumf %max3A_546, %min3A_556 : vector<16xf32>
      %get3A_559 = arith.constant 11 : i32
      %get3A_560 = arith.index_cast %get3A_559 : i32 to index
      %get3A_561 = arith.index_cast %mul3A_426 : i32 to index
      %get3A_562 = tpu.vector_load %arg4[%get3A_560, %get3A_561] {strides = array<i32>} : memref<32x1024xf32, #tpu.memory_space<vmem>>, vector<1x16xf32>,
      %get3A_563 = vector.shape_cast %get3A_562 : vector<1x16xf32> to vector<16xf32>
      %min3A_564 = arith.minimumf %max3A_553, %get3A_563 : vector<16xf32>
      %max3A_565 = arith.maximumf %max3A_553, %get3A_563 : vector<16xf32>
      %min3A_566 = arith.minimumf %max3A_555, %min3A_564 : vector<16xf32>
      %max3A_567 = arith.maximumf %max3A_555, %min3A_564 : vector<16xf32>
      %min3A_568 = arith.minimumf %max3A_557, %min3A_566 : vector<16xf32>
      %max3A_569 = arith.maximumf %max3A_557, %min3A_566 : vector<16xf32>
      %max3A_570 = arith.maximumf %max3A_558, %min3A_568 : vector<16xf32>
      %get3A_571 = arith.constant 12 : i32
      %get3A_572 = arith.index_cast %get3A_571 : i32 to index
      %get3A_573 = arith.index_cast %mul3A_426 : i32 to index
      %get3A_574 = tpu.vector_load %arg4[%get3A_572, %get3A_573] {strides = array<i32>} : memref<32x1024xf32, #tpu.memory_space<vmem>>, vector<1x16xf32>,
      %get3A_575 = vector.shape_cast %get3A_574 : vector<1x16xf32> to vector<16xf32>
      %min3A_576 = arith.minimumf %max3A_565, %get3A_575 : vector<16xf32>
      %max3A_577 = arith.maximumf %max3A_565, %get3A_575 : vector<16xf32>
      %min3A_578 = arith.minimumf %max3A_567, %min3A_576 : vector<16xf32>
      %max3A_579 = arith.maximumf %max3A_567, %min3A_576 : vector<16xf32>
      %min3A_580 = arith.minimumf %max3A_569, %min3A_578 : vector<16xf32>
      %max3A_581 = arith.maximumf %max3A_569, %min3A_578 : vector<16xf32>
      %max3A_582 = arith.maximumf %max3A_570, %min3A_580 : vector<16xf32>
      %get3A_583 = arith.constant 13 : i32
      %get3A_584 = arith.index_cast %get3A_583 : i32 to index
      %get3A_585 = arith.index_cast %mul3A_426 : i32 to index
      %get3A_586 = tpu.vector_load %arg4[%get3A_584, %get3A_585] {strides = array<i32>} : memref<32x1024xf32, #tpu.memory_space<vmem>>, vector<1x16xf32>,
      %get3A_587 = vector.shape_cast %get3A_586 : vector<1x16xf32> to vector<16xf32>
      %min3A_588 = arith.minimumf %max3A_577, %get3A_587 : vector<16xf32>
      %max3A_589 = arith.maximumf %max3A_577, %get3A_587 : vector<16xf32>
      %min3A_590 = arith.minimumf %max3A_579, %min3A_588 : vector<16xf32>
      %max3A_591 = arith.maximumf %max3A_579, %min3A_588 : vector<16xf32>
      %min3A_592 = arith.minimumf %max3A_581, %min3A_590 : vector<16xf32>
      %max3A_593 = arith.maximumf %max3A_581, %min3A_590 : vector<16xf32>
      %max3A_594 = arith.maximumf %max3A_582, %min3A_592 : vector<16xf32>
      %get3A_595 = arith.constant 14 : i32
      %get3A_596 = arith.index_cast %get3A_595 : i32 to index
      %get3A_597 = arith.index_cast %mul3A_426 : i32 to index
      %get3A_598 = tpu.vector_load %arg4[%get3A_596, %get3A_597] {strides = array<i32>} : memref<32x1024xf32, #tpu.memory_space<vmem>>, vector<1x16xf32>,
      %get3A_599 = vector.shape_cast %get3A_598 : vector<1x16xf32> to vector<16xf32>
      %min3A_600 = arith.minimumf %max3A_589, %get3A_599 : vector<16xf32>
      %max3A_601 = arith.maximumf %max3A_589, %get3A_599 : vector<16xf32>
      %min3A_602 = arith.minimumf %max3A_591, %min3A_600 : vector<16xf32>
      %max3A_603 = arith.maximumf %max3A_591, %min3A_600 : vector<16xf32>
      %min3A_604 = arith.minimumf %max3A_593, %min3A_602 : vector<16xf32>
      %max3A_605 = arith.maximumf %max3A_593, %min3A_602 : vector<16xf32>
      %max3A_606 = arith.maximumf %max3A_594, %min3A_604 : vector<16xf32>
      %get3A_607 = arith.constant 15 : i32
      %get3A_608 = arith.index_cast %get3A_607 : i32 to index
      %get3A_609 = arith.index_cast %mul3A_426 : i32 to index
      %get3A_610 = tpu.vector_load %arg4[%get3A_608, %get3A_609] {strides = array<i32>} : memref<32x1024xf32, #tpu.memory_space<vmem>>, vector<1x16xf32>,
      %get3A_611 = vector.shape_cast %get3A_610 : vector<1x16xf32> to vector<16xf32>
      %min3A_612 = arith.minimumf %max3A_601, %get3A_611 : vector<16xf32>
      %max3A_613 = arith.maximumf %max3A_601, %get3A_611 : vector<16xf32>
      %min3A_614 = arith.minimumf %max3A_603, %min3A_612 : vector<16xf32>
      %max3A_615 = arith.maximumf %max3A_603, %min3A_612 : vector<16xf32>
      %min3A_616 = arith.minimumf %max3A_605, %min3A_614 : vector<16xf32>
      %max3A_617 = arith.maximumf %max3A_605, %min3A_614 : vector<16xf32>
      %max3A_618 = arith.maximumf %max3A_606, %min3A_616 : vector<16xf32>
      %get3A_619 = arith.constant 16 : i32
      %get3A_620 = arith.index_cast %get3A_619 : i32 to index
      %get3A_621 = arith.index_cast %mul3A_426 : i32 to index
      %get3A_622 = tpu.vector_load %arg4[%get3A_620, %get3A_621] {strides = array<i32>} : memref<32x1024xf32, #tpu.memory_space<vmem>>, vector<1x16xf32>,
      %get3A_623 = vector.shape_cast %get3A_622 : vector<1x16xf32> to vector<16xf32>
      %min3A_624 = arith.minimumf %max3A_613, %get3A_623 : vector<16xf32>
      %max3A_625 = arith.maximumf %max3A_613, %get3A_623 : vector<16xf32>
      %min3A_626 = arith.minimumf %max3A_615, %min3A_624 : vector<16xf32>
      %max3A_627 = arith.maximumf %max3A_615, %min3A_624 : vector<16xf32>
      %min3A_628 = arith.minimumf %max3A_617, %min3A_626 : vector<16xf32>
      %max3A_629 = arith.maximumf %max3A_617, %min3A_626 : vector<16xf32>
      %max3A_630 = arith.maximumf %max3A_618, %min3A_628 : vector<16xf32>
      %get3A_631 = arith.constant 17 : i32
      %get3A_632 = arith.index_cast %get3A_631 : i32 to index
      %get3A_633 = arith.index_cast %mul3A_426 : i32 to index
      %get3A_634 = tpu.vector_load %arg4[%get3A_632, %get3A_633] {strides = array<i32>} : memref<32x1024xf32, #tpu.memory_space<vmem>>, vector<1x16xf32>,
      %get3A_635 = vector.shape_cast %get3A_634 : vector<1x16xf32> to vector<16xf32>
      %min3A_636 = arith.minimumf %max3A_625, %get3A_635 : vector<16xf32>
      %max3A_637 = arith.maximumf %max3A_625, %get3A_635 : vector<16xf32>
      %min3A_638 = arith.minimumf %max3A_627, %min3A_636 : vector<16xf32>
      %max3A_639 = arith.maximumf %max3A_627, %min3A_636 : vector<16xf32>
      %min3A_640 = arith.minimumf %max3A_629, %min3A_638 : vector<16xf32>
      %max3A_641 = arith.maximumf %max3A_629, %min3A_638 : vector<16xf32>
      %max3A_642 = arith.maximumf %max3A_630, %min3A_640 : vector<16xf32>
      %get3A_643 = arith.constant 18 : i32
      %get3A_644 = arith.index_cast %get3A_643 : i32 to index
      %get3A_645 = arith.index_cast %mul3A_426 : i32 to index
      %get3A_646 = tpu.vector_load %arg4[%get3A_644, %get3A_645] {strides = array<i32>} : memref<32x1024xf32, #tpu.memory_space<vmem>>, vector<1x16xf32>,
      %get3A_647 = vector.shape_cast %get3A_646 : vector<1x16xf32> to vector<16xf32>
      %min3A_648 = arith.minimumf %max3A_637, %get3A_647 : vector<16xf32>
      %max3A_649 = arith.maximumf %max3A_637, %get3A_647 : vector<16xf32>
      %min3A_650 = arith.minimumf %max3A_639, %min3A_648 : vector<16xf32>
      %max3A_651 = arith.maximumf %max3A_639, %min3A_648 : vector<16xf32>
      %min3A_652 = arith.minimumf %max3A_641, %min3A_650 : vector<16xf32>
      %max3A_653 = arith.maximumf %max3A_641, %min3A_650 : vector<16xf32>
      %max3A_654 = arith.maximumf %max3A_642, %min3A_652 : vector<16xf32>
      %get3A_655 = arith.constant 19 : i32
      %get3A_656 = arith.index_cast %get3A_655 : i32 to index
      %get3A_657 = arith.index_cast %mul3A_426 : i32 to index
      %get3A_658 = tpu.vector_load %arg4[%get3A_656, %get3A_657] {strides = array<i32>} : memref<32x1024xf32, #tpu.memory_space<vmem>>, vector<1x16xf32>,
      %get3A_659 = vector.shape_cast %get3A_658 : vector<1x16xf32> to vector<16xf32>
      %min3A_660 = arith.minimumf %max3A_649, %get3A_659 : vector<16xf32>
      %max3A_661 = arith.maximumf %max3A_649, %get3A_659 : vector<16xf32>
      %min3A_662 = arith.minimumf %max3A_651, %min3A_660 : vector<16xf32>
      %max3A_663 = arith.maximumf %max3A_651, %min3A_660 : vector<16xf32>
      %min3A_664 = arith.minimumf %max3A_653, %min3A_662 : vector<16xf32>
      %max3A_665 = arith.maximumf %max3A_653, %min3A_662 : vector<16xf32>
      %max3A_666 = arith.maximumf %max3A_654, %min3A_664 : vector<16xf32>
      %get3A_667 = arith.constant 20 : i32
      %get3A_668 = arith.index_cast %get3A_667 : i32 to index
      %get3A_669 = arith.index_cast %mul3A_426 : i32 to index
      %get3A_670 = tpu.vector_load %arg4[%get3A_668, %get3A_669] {strides = array<i32>} : memref<32x1024xf32, #tpu.memory_space<vmem>>, vector<1x16xf32>,
      %get3A_671 = vector.shape_cast %get3A_670 : vector<1x16xf32> to vector<16xf32>
      %min3A_672 = arith.minimumf %max3A_661, %get3A_671 : vector<16xf32>
      %max3A_673 = arith.maximumf %max3A_661, %get3A_671 : vector<16xf32>
      %min3A_674 = arith.minimumf %max3A_663, %min3A_672 : vector<16xf32>
      %max3A_675 = arith.maximumf %max3A_663, %min3A_672 : vector<16xf32>
      %min3A_676 = arith.minimumf %max3A_665, %min3A_674 : vector<16xf32>
      %max3A_677 = arith.maximumf %max3A_665, %min3A_674 : vector<16xf32>
      %max3A_678 = arith.maximumf %max3A_666, %min3A_676 : vector<16xf32>
      %get3A_679 = arith.constant 21 : i32
      %get3A_680 = arith.index_cast %get3A_679 : i32 to index
      %get3A_681 = arith.index_cast %mul3A_426 : i32 to index
      %get3A_682 = tpu.vector_load %arg4[%get3A_680, %get3A_681] {strides = array<i32>} : memref<32x1024xf32, #tpu.memory_space<vmem>>, vector<1x16xf32>,
      %get3A_683 = vector.shape_cast %get3A_682 : vector<1x16xf32> to vector<16xf32>
      %min3A_684 = arith.minimumf %max3A_673, %get3A_683 : vector<16xf32>
      %max3A_685 = arith.maximumf %max3A_673, %get3A_683 : vector<16xf32>
      %min3A_686 = arith.minimumf %max3A_675, %min3A_684 : vector<16xf32>
      %max3A_687 = arith.maximumf %max3A_675, %min3A_684 : vector<16xf32>
      %min3A_688 = arith.minimumf %max3A_677, %min3A_686 : vector<16xf32>
      %max3A_689 = arith.maximumf %max3A_677, %min3A_686 : vector<16xf32>
      %max3A_690 = arith.maximumf %max3A_678, %min3A_688 : vector<16xf32>
      %get3A_691 = arith.constant 22 : i32
      %get3A_692 = arith.index_cast %get3A_691 : i32 to index
      %get3A_693 = arith.index_cast %mul3A_426 : i32 to index
      %get3A_694 = tpu.vector_load %arg4[%get3A_692, %get3A_693] {strides = array<i32>} : memref<32x1024xf32, #tpu.memory_space<vmem>>, vector<1x16xf32>,
      %get3A_695 = vector.shape_cast %get3A_694 : vector<1x16xf32> to vector<16xf32>
      %min3A_696 = arith.minimumf %max3A_685, %get3A_695 : vector<16xf32>
      %max3A_697 = arith.maximumf %max3A_685, %get3A_695 : vector<16xf32>
      %min3A_698 = arith.minimumf %max3A_687, %min3A_696 : vector<16xf32>
      %max3A_699 = arith.maximumf %max3A_687, %min3A_696 : vector<16xf32>
      %min3A_700 = arith.minimumf %max3A_689, %min3A_698 : vector<16xf32>
      %max3A_701 = arith.maximumf %max3A_689, %min3A_698 : vector<16xf32>
      %max3A_702 = arith.maximumf %max3A_690, %min3A_700 : vector<16xf32>
      %get3A_703 = arith.constant 23 : i32
      %get3A_704 = arith.index_cast %get3A_703 : i32 to index
      %get3A_705 = arith.index_cast %mul3A_426 : i32 to index
      %get3A_706 = tpu.vector_load %arg4[%get3A_704, %get3A_705] {strides = array<i32>} : memref<32x1024xf32, #tpu.memory_space<vmem>>, vector<1x16xf32>,
      %get3A_707 = vector.shape_cast %get3A_706 : vector<1x16xf32> to vector<16xf32>
      %min3A_708 = arith.minimumf %max3A_697, %get3A_707 : vector<16xf32>
      %max3A_709 = arith.maximumf %max3A_697, %get3A_707 : vector<16xf32>
      %min3A_710 = arith.minimumf %max3A_699, %min3A_708 : vector<16xf32>
      %max3A_711 = arith.maximumf %max3A_699, %min3A_708 : vector<16xf32>
      %min3A_712 = arith.minimumf %max3A_701, %min3A_710 : vector<16xf32>
      %max3A_713 = arith.maximumf %max3A_701, %min3A_710 : vector<16xf32>
      %max3A_714 = arith.maximumf %max3A_702, %min3A_712 : vector<16xf32>
      %get3A_715 = arith.constant 24 : i32
      %get3A_716 = arith.index_cast %get3A_715 : i32 to index
      %get3A_717 = arith.index_cast %mul3A_426 : i32 to index
      %get3A_718 = tpu.vector_load %arg4[%get3A_716, %get3A_717] {strides = array<i32>} : memref<32x1024xf32, #tpu.memory_space<vmem>>, vector<1x16xf32>,
      %get3A_719 = vector.shape_cast %get3A_718 : vector<1x16xf32> to vector<16xf32>
      %min3A_720 = arith.minimumf %max3A_709, %get3A_719 : vector<16xf32>
      %max3A_721 = arith.maximumf %max3A_709, %get3A_719 : vector<16xf32>
      %min3A_722 = arith.minimumf %max3A_711, %min3A_720 : vector<16xf32>
      %max3A_723 = arith.maximumf %max3A_711, %min3A_720 : vector<16xf32>
      %min3A_724 = arith.minimumf %max3A_713, %min3A_722 : vector<16xf32>
      %max3A_725 = arith.maximumf %max3A_713, %min3A_722 : vector<16xf32>
      %max3A_726 = arith.maximumf %max3A_714, %min3A_724 : vector<16xf32>
      %get3A_727 = arith.constant 25 : i32
      %get3A_728 = arith.index_cast %get3A_727 : i32 to index
      %get3A_729 = arith.index_cast %mul3A_426 : i32 to index
      %get3A_730 = tpu.vector_load %arg4[%get3A_728, %get3A_729] {strides = array<i32>} : memref<32x1024xf32, #tpu.memory_space<vmem>>, vector<1x16xf32>,
      %get3A_731 = vector.shape_cast %get3A_730 : vector<1x16xf32> to vector<16xf32>
      %min3A_732 = arith.minimumf %max3A_721, %get3A_731 : vector<16xf32>
      %max3A_733 = arith.maximumf %max3A_721, %get3A_731 : vector<16xf32>
      %min3A_734 = arith.minimumf %max3A_723, %min3A_732 : vector<16xf32>
      %max3A_735 = arith.maximumf %max3A_723, %min3A_732 : vector<16xf32>
      %min3A_736 = arith.minimumf %max3A_725, %min3A_734 : vector<16xf32>
      %max3A_737 = arith.maximumf %max3A_725, %min3A_734 : vector<16xf32>
      %max3A_738 = arith.maximumf %max3A_726, %min3A_736 : vector<16xf32>
      %get3A_739 = arith.constant 26 : i32
      %get3A_740 = arith.index_cast %get3A_739 : i32 to index
      %get3A_741 = arith.index_cast %mul3A_426 : i32 to index
      %get3A_742 = tpu.vector_load %arg4[%get3A_740, %get3A_741] {strides = array<i32>} : memref<32x1024xf32, #tpu.memory_space<vmem>>, vector<1x16xf32>,
      %get3A_743 = vector.shape_cast %get3A_742 : vector<1x16xf32> to vector<16xf32>
      %min3A_744 = arith.minimumf %max3A_733, %get3A_743 : vector<16xf32>
      %max3A_745 = arith.maximumf %max3A_733, %get3A_743 : vector<16xf32>
      %min3A_746 = arith.minimumf %max3A_735, %min3A_744 : vector<16xf32>
      %max3A_747 = arith.maximumf %max3A_735, %min3A_744 : vector<16xf32>
      %min3A_748 = arith.minimumf %max3A_737, %min3A_746 : vector<16xf32>
      %max3A_749 = arith.maximumf %max3A_737, %min3A_746 : vector<16xf32>
      %max3A_750 = arith.maximumf %max3A_738, %min3A_748 : vector<16xf32>
      %get3A_751 = arith.constant 27 : i32
      %get3A_752 = arith.index_cast %get3A_751 : i32 to index
      %get3A_753 = arith.index_cast %mul3A_426 : i32 to index
      %get3A_754 = tpu.vector_load %arg4[%get3A_752, %get3A_753] {strides = array<i32>} : memref<32x1024xf32, #tpu.memory_space<vmem>>, vector<1x16xf32>,
      %get3A_755 = vector.shape_cast %get3A_754 : vector<1x16xf32> to vector<16xf32>
      %min3A_756 = arith.minimumf %max3A_745, %get3A_755 : vector<16xf32>
      %max3A_757 = arith.maximumf %max3A_745, %get3A_755 : vector<16xf32>
      %min3A_758 = arith.minimumf %max3A_747, %min3A_756 : vector<16xf32>
      %max3A_759 = arith.maximumf %max3A_747, %min3A_756 : vector<16xf32>
      %min3A_760 = arith.minimumf %max3A_749, %min3A_758 : vector<16xf32>
      %max3A_761 = arith.maximumf %max3A_749, %min3A_758 : vector<16xf32>
      %max3A_762 = arith.maximumf %max3A_750, %min3A_760 : vector<16xf32>
      %get3A_763 = arith.constant 28 : i32
      %get3A_764 = arith.index_cast %get3A_763 : i32 to index
      %get3A_765 = arith.index_cast %mul3A_426 : i32 to index
      %get3A_766 = tpu.vector_load %arg4[%get3A_764, %get3A_765] {strides = array<i32>} : memref<32x1024xf32, #tpu.memory_space<vmem>>, vector<1x16xf32>,
      %get3A_767 = vector.shape_cast %get3A_766 : vector<1x16xf32> to vector<16xf32>
      %min3A_768 = arith.minimumf %max3A_757, %get3A_767 : vector<16xf32>
      %max3A_769 = arith.maximumf %max3A_757, %get3A_767 : vector<16xf32>
      %min3A_770 = arith.minimumf %max3A_759, %min3A_768 : vector<16xf32>
      %max3A_771 = arith.maximumf %max3A_759, %min3A_768 : vector<16xf32>
      %min3A_772 = arith.minimumf %max3A_761, %min3A_770 : vector<16xf32>
      %max3A_773 = arith.maximumf %max3A_761, %min3A_770 : vector<16xf32>
      %max3A_774 = arith.maximumf %max3A_762, %min3A_772 : vector<16xf32>
      %get3A_775 = arith.constant 29 : i32
      %get3A_776 = arith.index_cast %get3A_775 : i32 to index
      %get3A_777 = arith.index_cast %mul3A_426 : i32 to index
      %get3A_778 = tpu.vector_load %arg4[%get3A_776, %get3A_777] {strides = array<i32>} : memref<32x1024xf32, #tpu.memory_space<vmem>>, vector<1x16xf32>,
      %get3A_779 = vector.shape_cast %get3A_778 : vector<1x16xf32> to vector<16xf32>
      %min3A_780 = arith.minimumf %max3A_769, %get3A_779 : vector<16xf32>
      %max3A_781 = arith.maximumf %max3A_769, %get3A_779 : vector<16xf32>
      %min3A_782 = arith.minimumf %max3A_771, %min3A_780 : vector<16xf32>
      %max3A_783 = arith.maximumf %max3A_771, %min3A_780 : vector<16xf32>
      %min3A_784 = arith.minimumf %max3A_773, %min3A_782 : vector<16xf32>
      %max3A_785 = arith.maximumf %max3A_773, %min3A_782 : vector<16xf32>
      %max3A_786 = arith.maximumf %max3A_774, %min3A_784 : vector<16xf32>
      %get3A_787 = arith.constant 30 : i32
      %get3A_788 = arith.index_cast %get3A_787 : i32 to index
      %get3A_789 = arith.index_cast %mul3A_426 : i32 to index
      %get3A_790 = tpu.vector_load %arg4[%get3A_788, %get3A_789] {strides = array<i32>} : memref<32x1024xf32, #tpu.memory_space<vmem>>, vector<1x16xf32>,
      %get3A_791 = vector.shape_cast %get3A_790 : vector<1x16xf32> to vector<16xf32>
      %min3A_792 = arith.minimumf %max3A_781, %get3A_791 : vector<16xf32>
      %max3A_793 = arith.maximumf %max3A_781, %get3A_791 : vector<16xf32>
      %min3A_794 = arith.minimumf %max3A_783, %min3A_792 : vector<16xf32>
      %max3A_795 = arith.maximumf %max3A_783, %min3A_792 : vector<16xf32>
      %min3A_796 = arith.minimumf %max3A_785, %min3A_794 : vector<16xf32>
      %max3A_797 = arith.maximumf %max3A_785, %min3A_794 : vector<16xf32>
      %max3A_798 = arith.maximumf %max3A_786, %min3A_796 : vector<16xf32>
      %get3A_799 = arith.constant 31 : i32
      %get3A_800 = arith.index_cast %get3A_799 : i32 to index
      %get3A_801 = arith.index_cast %mul3A_426 : i32 to index
      %get3A_802 = tpu.vector_load %arg4[%get3A_800, %get3A_801] {strides = array<i32>} : memref<32x1024xf32, #tpu.memory_space<vmem>>, vector<1x16xf32>,
      %get3A_803 = vector.shape_cast %get3A_802 : vector<1x16xf32> to vector<16xf32>
      %min3A_804 = arith.minimumf %max3A_793, %get3A_803 : vector<16xf32>
      %max3A_805 = arith.maximumf %max3A_793, %get3A_803 : vector<16xf32>
      %min3A_806 = arith.minimumf %max3A_795, %min3A_804 : vector<16xf32>
      %max3A_807 = arith.maximumf %max3A_795, %min3A_804 : vector<16xf32>
      %min3A_808 = arith.minimumf %max3A_797, %min3A_806 : vector<16xf32>
      %max3A_809 = arith.maximumf %max3A_797, %min3A_806 : vector<16xf32>
      %max3A_810 = arith.maximumf %max3A_798, %min3A_808 : vector<16xf32>
      %gt3A_811 = arith.cmpf ogt, %max3A_805, %broadcast_in_dim3A_3 : vector<16xf32>
      %select_n3A_812 = arith.select %gt3A_811, %broadcast_in_dim3A_7, %broadcast_in_dim3A_5 : vector<16xi1>, vector<16xi32>
      %add3A_813 = arith.addi %scan3A_21, %select_n3A_812 : vector<16xi32>
      %gt3A_814 = arith.cmpf ogt, %max3A_807, %broadcast_in_dim3A_3 : vector<16xf32>
      %select_n3A_815 = arith.select %gt3A_814, %broadcast_in_dim3A_7, %broadcast_in_dim3A_5 : vector<16xi1>, vector<16xi32>
      %add3A_816 = arith.addi %add3A_813, %select_n3A_815 : vector<16xi32>
      %gt3A_817 = arith.cmpf ogt, %max3A_809, %broadcast_in_dim3A_3 : vector<16xf32>
      %select_n3A_818 = arith.select %gt3A_817, %broadcast_in_dim3A_7, %broadcast_in_dim3A_5 : vector<16xi1>, vector<16xi32>
      %add3A_819 = arith.addi %add3A_816, %select_n3A_818 : vector<16xi32>
      %gt3A_820 = arith.cmpf ogt, %max3A_810, %broadcast_in_dim3A_3 : vector<16xf32>
      %select_n3A_821 = arith.select %gt3A_820, %broadcast_in_dim3A_7, %broadcast_in_dim3A_5 : vector<16xi1>, vector<16xi32>
      %add3A_822 = arith.addi %add3A_819, %select_n3A_821 : vector<16xi32>
      %mul3A_823 = arith.constant 4 : i32
      %mul3A_824 = arith.muli %scan3A_19, %mul3A_823 : i32
      %add3A_825 = arith.constant 2 : i32
      %add3A_826 = arith.addi %mul3A_824, %add3A_825 : i32
      %mul3A_827 = arith.constant 16 : i32
      %mul3A_828 = arith.muli %add3A_826, %mul3A_827 : i32
      %get3A_829 = arith.constant 0 : i32
      %get3A_830 = arith.index_cast %get3A_829 : i32 to index
      %get3A_831 = arith.index_cast %mul3A_828 : i32 to index
      %get3A_832 = tpu.vector_load %arg4[%get3A_830, %get3A_831] {strides = array<i32>} : memref<32x1024xf32, #tpu.memory_space<vmem>>, vector<1x16xf32>,
      %get3A_833 = vector.shape_cast %get3A_832 : vector<1x16xf32> to vector<16xf32>
      %min3A_834 = arith.minimumf %broadcast_in_dim3A_3, %get3A_833 : vector<16xf32>
      %max3A_835 = arith.maximumf %broadcast_in_dim3A_3, %get3A_833 : vector<16xf32>
      %min3A_836 = arith.minimumf %broadcast_in_dim3A_3, %min3A_834 : vector<16xf32>
      %max3A_837 = arith.maximumf %broadcast_in_dim3A_3, %min3A_834 : vector<16xf32>
      %min3A_838 = arith.minimumf %broadcast_in_dim3A_3, %min3A_836 : vector<16xf32>
      %max3A_839 = arith.maximumf %broadcast_in_dim3A_3, %min3A_836 : vector<16xf32>
      %max3A_840 = arith.maximumf %broadcast_in_dim3A_3, %min3A_838 : vector<16xf32>
      %get3A_841 = arith.constant 1 : i32
      %get3A_842 = arith.index_cast %get3A_841 : i32 to index
      %get3A_843 = arith.index_cast %mul3A_828 : i32 to index
      %get3A_844 = tpu.vector_load %arg4[%get3A_842, %get3A_843] {strides = array<i32>} : memref<32x1024xf32, #tpu.memory_space<vmem>>, vector<1x16xf32>,
      %get3A_845 = vector.shape_cast %get3A_844 : vector<1x16xf32> to vector<16xf32>
      %min3A_846 = arith.minimumf %max3A_835, %get3A_845 : vector<16xf32>
      %max3A_847 = arith.maximumf %max3A_835, %get3A_845 : vector<16xf32>
      %min3A_848 = arith.minimumf %max3A_837, %min3A_846 : vector<16xf32>
      %max3A_849 = arith.maximumf %max3A_837, %min3A_846 : vector<16xf32>
      %min3A_850 = arith.minimumf %max3A_839, %min3A_848 : vector<16xf32>
      %max3A_851 = arith.maximumf %max3A_839, %min3A_848 : vector<16xf32>
      %max3A_852 = arith.maximumf %max3A_840, %min3A_850 : vector<16xf32>
      %get3A_853 = arith.constant 2 : i32
      %get3A_854 = arith.index_cast %get3A_853 : i32 to index
      %get3A_855 = arith.index_cast %mul3A_828 : i32 to index
      %get3A_856 = tpu.vector_load %arg4[%get3A_854, %get3A_855] {strides = array<i32>} : memref<32x1024xf32, #tpu.memory_space<vmem>>, vector<1x16xf32>,
      %get3A_857 = vector.shape_cast %get3A_856 : vector<1x16xf32> to vector<16xf32>
      %min3A_858 = arith.minimumf %max3A_847, %get3A_857 : vector<16xf32>
      %max3A_859 = arith.maximumf %max3A_847, %get3A_857 : vector<16xf32>
      %min3A_860 = arith.minimumf %max3A_849, %min3A_858 : vector<16xf32>
      %max3A_861 = arith.maximumf %max3A_849, %min3A_858 : vector<16xf32>
      %min3A_862 = arith.minimumf %max3A_851, %min3A_860 : vector<16xf32>
      %max3A_863 = arith.maximumf %max3A_851, %min3A_860 : vector<16xf32>
      %max3A_864 = arith.maximumf %max3A_852, %min3A_862 : vector<16xf32>
      %get3A_865 = arith.constant 3 : i32
      %get3A_866 = arith.index_cast %get3A_865 : i32 to index
      %get3A_867 = arith.index_cast %mul3A_828 : i32 to index
      %get3A_868 = tpu.vector_load %arg4[%get3A_866, %get3A_867] {strides = array<i32>} : memref<32x1024xf32, #tpu.memory_space<vmem>>, vector<1x16xf32>,
      %get3A_869 = vector.shape_cast %get3A_868 : vector<1x16xf32> to vector<16xf32>
      %min3A_870 = arith.minimumf %max3A_859, %get3A_869 : vector<16xf32>
      %max3A_871 = arith.maximumf %max3A_859, %get3A_869 : vector<16xf32>
      %min3A_872 = arith.minimumf %max3A_861, %min3A_870 : vector<16xf32>
      %max3A_873 = arith.maximumf %max3A_861, %min3A_870 : vector<16xf32>
      %min3A_874 = arith.minimumf %max3A_863, %min3A_872 : vector<16xf32>
      %max3A_875 = arith.maximumf %max3A_863, %min3A_872 : vector<16xf32>
      %max3A_876 = arith.maximumf %max3A_864, %min3A_874 : vector<16xf32>
      %get3A_877 = arith.constant 4 : i32
      %get3A_878 = arith.index_cast %get3A_877 : i32 to index
      %get3A_879 = arith.index_cast %mul3A_828 : i32 to index
      %get3A_880 = tpu.vector_load %arg4[%get3A_878, %get3A_879] {strides = array<i32>} : memref<32x1024xf32, #tpu.memory_space<vmem>>, vector<1x16xf32>,
      %get3A_881 = vector.shape_cast %get3A_880 : vector<1x16xf32> to vector<16xf32>
      %min3A_882 = arith.minimumf %max3A_871, %get3A_881 : vector<16xf32>
      %max3A_883 = arith.maximumf %max3A_871, %get3A_881 : vector<16xf32>
      %min3A_884 = arith.minimumf %max3A_873, %min3A_882 : vector<16xf32>
      %max3A_885 = arith.maximumf %max3A_873, %min3A_882 : vector<16xf32>
      %min3A_886 = arith.minimumf %max3A_875, %min3A_884 : vector<16xf32>
      %max3A_887 = arith.maximumf %max3A_875, %min3A_884 : vector<16xf32>
      %max3A_888 = arith.maximumf %max3A_876, %min3A_886 : vector<16xf32>
      %get3A_889 = arith.constant 5 : i32
      %get3A_890 = arith.index_cast %get3A_889 : i32 to index
      %get3A_891 = arith.index_cast %mul3A_828 : i32 to index
      %get3A_892 = tpu.vector_load %arg4[%get3A_890, %get3A_891] {strides = array<i32>} : memref<32x1024xf32, #tpu.memory_space<vmem>>, vector<1x16xf32>,
      %get3A_893 = vector.shape_cast %get3A_892 : vector<1x16xf32> to vector<16xf32>
      %min3A_894 = arith.minimumf %max3A_883, %get3A_893 : vector<16xf32>
      %max3A_895 = arith.maximumf %max3A_883, %get3A_893 : vector<16xf32>
      %min3A_896 = arith.minimumf %max3A_885, %min3A_894 : vector<16xf32>
      %max3A_897 = arith.maximumf %max3A_885, %min3A_894 : vector<16xf32>
      %min3A_898 = arith.minimumf %max3A_887, %min3A_896 : vector<16xf32>
      %max3A_899 = arith.maximumf %max3A_887, %min3A_896 : vector<16xf32>
      %max3A_900 = arith.maximumf %max3A_888, %min3A_898 : vector<16xf32>
      %get3A_901 = arith.constant 6 : i32
      %get3A_902 = arith.index_cast %get3A_901 : i32 to index
      %get3A_903 = arith.index_cast %mul3A_828 : i32 to index
      %get3A_904 = tpu.vector_load %arg4[%get3A_902, %get3A_903] {strides = array<i32>} : memref<32x1024xf32, #tpu.memory_space<vmem>>, vector<1x16xf32>,
      %get3A_905 = vector.shape_cast %get3A_904 : vector<1x16xf32> to vector<16xf32>
      %min3A_906 = arith.minimumf %max3A_895, %get3A_905 : vector<16xf32>
      %max3A_907 = arith.maximumf %max3A_895, %get3A_905 : vector<16xf32>
      %min3A_908 = arith.minimumf %max3A_897, %min3A_906 : vector<16xf32>
      %max3A_909 = arith.maximumf %max3A_897, %min3A_906 : vector<16xf32>
      %min3A_910 = arith.minimumf %max3A_899, %min3A_908 : vector<16xf32>
      %max3A_911 = arith.maximumf %max3A_899, %min3A_908 : vector<16xf32>
      %max3A_912 = arith.maximumf %max3A_900, %min3A_910 : vector<16xf32>
      %get3A_913 = arith.constant 7 : i32
      %get3A_914 = arith.index_cast %get3A_913 : i32 to index
      %get3A_915 = arith.index_cast %mul3A_828 : i32 to index
      %get3A_916 = tpu.vector_load %arg4[%get3A_914, %get3A_915] {strides = array<i32>} : memref<32x1024xf32, #tpu.memory_space<vmem>>, vector<1x16xf32>,
      %get3A_917 = vector.shape_cast %get3A_916 : vector<1x16xf32> to vector<16xf32>
      %min3A_918 = arith.minimumf %max3A_907, %get3A_917 : vector<16xf32>
      %max3A_919 = arith.maximumf %max3A_907, %get3A_917 : vector<16xf32>
      %min3A_920 = arith.minimumf %max3A_909, %min3A_918 : vector<16xf32>
      %max3A_921 = arith.maximumf %max3A_909, %min3A_918 : vector<16xf32>
      %min3A_922 = arith.minimumf %max3A_911, %min3A_920 : vector<16xf32>
      %max3A_923 = arith.maximumf %max3A_911, %min3A_920 : vector<16xf32>
      %max3A_924 = arith.maximumf %max3A_912, %min3A_922 : vector<16xf32>
      %get3A_925 = arith.constant 8 : i32
      %get3A_926 = arith.index_cast %get3A_925 : i32 to index
      %get3A_927 = arith.index_cast %mul3A_828 : i32 to index
      %get3A_928 = tpu.vector_load %arg4[%get3A_926, %get3A_927] {strides = array<i32>} : memref<32x1024xf32, #tpu.memory_space<vmem>>, vector<1x16xf32>,
      %get3A_929 = vector.shape_cast %get3A_928 : vector<1x16xf32> to vector<16xf32>
      %min3A_930 = arith.minimumf %max3A_919, %get3A_929 : vector<16xf32>
      %max3A_931 = arith.maximumf %max3A_919, %get3A_929 : vector<16xf32>
      %min3A_932 = arith.minimumf %max3A_921, %min3A_930 : vector<16xf32>
      %max3A_933 = arith.maximumf %max3A_921, %min3A_930 : vector<16xf32>
      %min3A_934 = arith.minimumf %max3A_923, %min3A_932 : vector<16xf32>
      %max3A_935 = arith.maximumf %max3A_923, %min3A_932 : vector<16xf32>
      %max3A_936 = arith.maximumf %max3A_924, %min3A_934 : vector<16xf32>
      %get3A_937 = arith.constant 9 : i32
      %get3A_938 = arith.index_cast %get3A_937 : i32 to index
      %get3A_939 = arith.index_cast %mul3A_828 : i32 to index
      %get3A_940 = tpu.vector_load %arg4[%get3A_938, %get3A_939] {strides = array<i32>} : memref<32x1024xf32, #tpu.memory_space<vmem>>, vector<1x16xf32>,
      %get3A_941 = vector.shape_cast %get3A_940 : vector<1x16xf32> to vector<16xf32>
      %min3A_942 = arith.minimumf %max3A_931, %get3A_941 : vector<16xf32>
      %max3A_943 = arith.maximumf %max3A_931, %get3A_941 : vector<16xf32>
      %min3A_944 = arith.minimumf %max3A_933, %min3A_942 : vector<16xf32>
      %max3A_945 = arith.maximumf %max3A_933, %min3A_942 : vector<16xf32>
      %min3A_946 = arith.minimumf %max3A_935, %min3A_944 : vector<16xf32>
      %max3A_947 = arith.maximumf %max3A_935, %min3A_944 : vector<16xf32>
      %max3A_948 = arith.maximumf %max3A_936, %min3A_946 : vector<16xf32>
      %get3A_949 = arith.constant 10 : i32
      %get3A_950 = arith.index_cast %get3A_949 : i32 to index
      %get3A_951 = arith.index_cast %mul3A_828 : i32 to index
      %get3A_952 = tpu.vector_load %arg4[%get3A_950, %get3A_951] {strides = array<i32>} : memref<32x1024xf32, #tpu.memory_space<vmem>>, vector<1x16xf32>,
      %get3A_953 = vector.shape_cast %get3A_952 : vector<1x16xf32> to vector<16xf32>
      %min3A_954 = arith.minimumf %max3A_943, %get3A_953 : vector<16xf32>
      %max3A_955 = arith.maximumf %max3A_943, %get3A_953 : vector<16xf32>
      %min3A_956 = arith.minimumf %max3A_945, %min3A_954 : vector<16xf32>
      %max3A_957 = arith.maximumf %max3A_945, %min3A_954 : vector<16xf32>
      %min3A_958 = arith.minimumf %max3A_947, %min3A_956 : vector<16xf32>
      %max3A_959 = arith.maximumf %max3A_947, %min3A_956 : vector<16xf32>
      %max3A_960 = arith.maximumf %max3A_948, %min3A_958 : vector<16xf32>
      %get3A_961 = arith.constant 11 : i32
      %get3A_962 = arith.index_cast %get3A_961 : i32 to index
      %get3A_963 = arith.index_cast %mul3A_828 : i32 to index
      %get3A_964 = tpu.vector_load %arg4[%get3A_962, %get3A_963] {strides = array<i32>} : memref<32x1024xf32, #tpu.memory_space<vmem>>, vector<1x16xf32>,
      %get3A_965 = vector.shape_cast %get3A_964 : vector<1x16xf32> to vector<16xf32>
      %min3A_966 = arith.minimumf %max3A_955, %get3A_965 : vector<16xf32>
      %max3A_967 = arith.maximumf %max3A_955, %get3A_965 : vector<16xf32>
      %min3A_968 = arith.minimumf %max3A_957, %min3A_966 : vector<16xf32>
      %max3A_969 = arith.maximumf %max3A_957, %min3A_966 : vector<16xf32>
      %min3A_970 = arith.minimumf %max3A_959, %min3A_968 : vector<16xf32>
      %max3A_971 = arith.maximumf %max3A_959, %min3A_968 : vector<16xf32>
      %max3A_972 = arith.maximumf %max3A_960, %min3A_970 : vector<16xf32>
      %get3A_973 = arith.constant 12 : i32
      %get3A_974 = arith.index_cast %get3A_973 : i32 to index
      %get3A_975 = arith.index_cast %mul3A_828 : i32 to index
      %get3A_976 = tpu.vector_load %arg4[%get3A_974, %get3A_975] {strides = array<i32>} : memref<32x1024xf32, #tpu.memory_space<vmem>>, vector<1x16xf32>,
      %get3A_977 = vector.shape_cast %get3A_976 : vector<1x16xf32> to vector<16xf32>
      %min3A_978 = arith.minimumf %max3A_967, %get3A_977 : vector<16xf32>
      %max3A_979 = arith.maximumf %max3A_967, %get3A_977 : vector<16xf32>
      %min3A_980 = arith.minimumf %max3A_969, %min3A_978 : vector<16xf32>
      %max3A_981 = arith.maximumf %max3A_969, %min3A_978 : vector<16xf32>
      %min3A_982 = arith.minimumf %max3A_971, %min3A_980 : vector<16xf32>
      %max3A_983 = arith.maximumf %max3A_971, %min3A_980 : vector<16xf32>
      %max3A_984 = arith.maximumf %max3A_972, %min3A_982 : vector<16xf32>
      %get3A_985 = arith.constant 13 : i32
      %get3A_986 = arith.index_cast %get3A_985 : i32 to index
      %get3A_987 = arith.index_cast %mul3A_828 : i32 to index
      %get3A_988 = tpu.vector_load %arg4[%get3A_986, %get3A_987] {strides = array<i32>} : memref<32x1024xf32, #tpu.memory_space<vmem>>, vector<1x16xf32>,
      %get3A_989 = vector.shape_cast %get3A_988 : vector<1x16xf32> to vector<16xf32>
      %min3A_990 = arith.minimumf %max3A_979, %get3A_989 : vector<16xf32>
      %max3A_991 = arith.maximumf %max3A_979, %get3A_989 : vector<16xf32>
      %min3A_992 = arith.minimumf %max3A_981, %min3A_990 : vector<16xf32>
      %max3A_993 = arith.maximumf %max3A_981, %min3A_990 : vector<16xf32>
      %min3A_994 = arith.minimumf %max3A_983, %min3A_992 : vector<16xf32>
      %max3A_995 = arith.maximumf %max3A_983, %min3A_992 : vector<16xf32>
      %max3A_996 = arith.maximumf %max3A_984, %min3A_994 : vector<16xf32>
      %get3A_997 = arith.constant 14 : i32
      %get3A_998 = arith.index_cast %get3A_997 : i32 to index
      %get3A_999 = arith.index_cast %mul3A_828 : i32 to index
      %get3A_1000 = tpu.vector_load %arg4[%get3A_998, %get3A_999] {strides = array<i32>} : memref<32x1024xf32, #tpu.memory_space<vmem>>, vector<1x16xf32>,
      %get3A_1001 = vector.shape_cast %get3A_1000 : vector<1x16xf32> to vector<16xf32>
      %min3A_1002 = arith.minimumf %max3A_991, %get3A_1001 : vector<16xf32>
      %max3A_1003 = arith.maximumf %max3A_991, %get3A_1001 : vector<16xf32>
      %min3A_1004 = arith.minimumf %max3A_993, %min3A_1002 : vector<16xf32>
      %max3A_1005 = arith.maximumf %max3A_993, %min3A_1002 : vector<16xf32>
      %min3A_1006 = arith.minimumf %max3A_995, %min3A_1004 : vector<16xf32>
      %max3A_1007 = arith.maximumf %max3A_995, %min3A_1004 : vector<16xf32>
      %max3A_1008 = arith.maximumf %max3A_996, %min3A_1006 : vector<16xf32>
      %get3A_1009 = arith.constant 15 : i32
      %get3A_1010 = arith.index_cast %get3A_1009 : i32 to index
      %get3A_1011 = arith.index_cast %mul3A_828 : i32 to index
      %get3A_1012 = tpu.vector_load %arg4[%get3A_1010, %get3A_1011] {strides = array<i32>} : memref<32x1024xf32, #tpu.memory_space<vmem>>, vector<1x16xf32>,
      %get3A_1013 = vector.shape_cast %get3A_1012 : vector<1x16xf32> to vector<16xf32>
      %min3A_1014 = arith.minimumf %max3A_1003, %get3A_1013 : vector<16xf32>
      %max3A_1015 = arith.maximumf %max3A_1003, %get3A_1013 : vector<16xf32>
      %min3A_1016 = arith.minimumf %max3A_1005, %min3A_1014 : vector<16xf32>
      %max3A_1017 = arith.maximumf %max3A_1005, %min3A_1014 : vector<16xf32>
      %min3A_1018 = arith.minimumf %max3A_1007, %min3A_1016 : vector<16xf32>
      %max3A_1019 = arith.maximumf %max3A_1007, %min3A_1016 : vector<16xf32>
      %max3A_1020 = arith.maximumf %max3A_1008, %min3A_1018 : vector<16xf32>
      %get3A_1021 = arith.constant 16 : i32
      %get3A_1022 = arith.index_cast %get3A_1021 : i32 to index
      %get3A_1023 = arith.index_cast %mul3A_828 : i32 to index
      %get3A_1024 = tpu.vector_load %arg4[%get3A_1022, %get3A_1023] {strides = array<i32>} : memref<32x1024xf32, #tpu.memory_space<vmem>>, vector<1x16xf32>,
      %get3A_1025 = vector.shape_cast %get3A_1024 : vector<1x16xf32> to vector<16xf32>
      %min3A_1026 = arith.minimumf %max3A_1015, %get3A_1025 : vector<16xf32>
      %max3A_1027 = arith.maximumf %max3A_1015, %get3A_1025 : vector<16xf32>
      %min3A_1028 = arith.minimumf %max3A_1017, %min3A_1026 : vector<16xf32>
      %max3A_1029 = arith.maximumf %max3A_1017, %min3A_1026 : vector<16xf32>
      %min3A_1030 = arith.minimumf %max3A_1019, %min3A_1028 : vector<16xf32>
      %max3A_1031 = arith.maximumf %max3A_1019, %min3A_1028 : vector<16xf32>
      %max3A_1032 = arith.maximumf %max3A_1020, %min3A_1030 : vector<16xf32>
      %get3A_1033 = arith.constant 17 : i32
      %get3A_1034 = arith.index_cast %get3A_1033 : i32 to index
      %get3A_1035 = arith.index_cast %mul3A_828 : i32 to index
      %get3A_1036 = tpu.vector_load %arg4[%get3A_1034, %get3A_1035] {strides = array<i32>} : memref<32x1024xf32, #tpu.memory_space<vmem>>, vector<1x16xf32>,
      %get3A_1037 = vector.shape_cast %get3A_1036 : vector<1x16xf32> to vector<16xf32>
      %min3A_1038 = arith.minimumf %max3A_1027, %get3A_1037 : vector<16xf32>
      %max3A_1039 = arith.maximumf %max3A_1027, %get3A_1037 : vector<16xf32>
      %min3A_1040 = arith.minimumf %max3A_1029, %min3A_1038 : vector<16xf32>
      %max3A_1041 = arith.maximumf %max3A_1029, %min3A_1038 : vector<16xf32>
      %min3A_1042 = arith.minimumf %max3A_1031, %min3A_1040 : vector<16xf32>
      %max3A_1043 = arith.maximumf %max3A_1031, %min3A_1040 : vector<16xf32>
      %max3A_1044 = arith.maximumf %max3A_1032, %min3A_1042 : vector<16xf32>
      %get3A_1045 = arith.constant 18 : i32
      %get3A_1046 = arith.index_cast %get3A_1045 : i32 to index
      %get3A_1047 = arith.index_cast %mul3A_828 : i32 to index
      %get3A_1048 = tpu.vector_load %arg4[%get3A_1046, %get3A_1047] {strides = array<i32>} : memref<32x1024xf32, #tpu.memory_space<vmem>>, vector<1x16xf32>,
      %get3A_1049 = vector.shape_cast %get3A_1048 : vector<1x16xf32> to vector<16xf32>
      %min3A_1050 = arith.minimumf %max3A_1039, %get3A_1049 : vector<16xf32>
      %max3A_1051 = arith.maximumf %max3A_1039, %get3A_1049 : vector<16xf32>
      %min3A_1052 = arith.minimumf %max3A_1041, %min3A_1050 : vector<16xf32>
      %max3A_1053 = arith.maximumf %max3A_1041, %min3A_1050 : vector<16xf32>
      %min3A_1054 = arith.minimumf %max3A_1043, %min3A_1052 : vector<16xf32>
      %max3A_1055 = arith.maximumf %max3A_1043, %min3A_1052 : vector<16xf32>
      %max3A_1056 = arith.maximumf %max3A_1044, %min3A_1054 : vector<16xf32>
      %get3A_1057 = arith.constant 19 : i32
      %get3A_1058 = arith.index_cast %get3A_1057 : i32 to index
      %get3A_1059 = arith.index_cast %mul3A_828 : i32 to index
      %get3A_1060 = tpu.vector_load %arg4[%get3A_1058, %get3A_1059] {strides = array<i32>} : memref<32x1024xf32, #tpu.memory_space<vmem>>, vector<1x16xf32>,
      %get3A_1061 = vector.shape_cast %get3A_1060 : vector<1x16xf32> to vector<16xf32>
      %min3A_1062 = arith.minimumf %max3A_1051, %get3A_1061 : vector<16xf32>
      %max3A_1063 = arith.maximumf %max3A_1051, %get3A_1061 : vector<16xf32>
      %min3A_1064 = arith.minimumf %max3A_1053, %min3A_1062 : vector<16xf32>
      %max3A_1065 = arith.maximumf %max3A_1053, %min3A_1062 : vector<16xf32>
      %min3A_1066 = arith.minimumf %max3A_1055, %min3A_1064 : vector<16xf32>
      %max3A_1067 = arith.maximumf %max3A_1055, %min3A_1064 : vector<16xf32>
      %max3A_1068 = arith.maximumf %max3A_1056, %min3A_1066 : vector<16xf32>
      %get3A_1069 = arith.constant 20 : i32
      %get3A_1070 = arith.index_cast %get3A_1069 : i32 to index
      %get3A_1071 = arith.index_cast %mul3A_828 : i32 to index
      %get3A_1072 = tpu.vector_load %arg4[%get3A_1070, %get3A_1071] {strides = array<i32>} : memref<32x1024xf32, #tpu.memory_space<vmem>>, vector<1x16xf32>,
      %get3A_1073 = vector.shape_cast %get3A_1072 : vector<1x16xf32> to vector<16xf32>
      %min3A_1074 = arith.minimumf %max3A_1063, %get3A_1073 : vector<16xf32>
      %max3A_1075 = arith.maximumf %max3A_1063, %get3A_1073 : vector<16xf32>
      %min3A_1076 = arith.minimumf %max3A_1065, %min3A_1074 : vector<16xf32>
      %max3A_1077 = arith.maximumf %max3A_1065, %min3A_1074 : vector<16xf32>
      %min3A_1078 = arith.minimumf %max3A_1067, %min3A_1076 : vector<16xf32>
      %max3A_1079 = arith.maximumf %max3A_1067, %min3A_1076 : vector<16xf32>
      %max3A_1080 = arith.maximumf %max3A_1068, %min3A_1078 : vector<16xf32>
      %get3A_1081 = arith.constant 21 : i32
      %get3A_1082 = arith.index_cast %get3A_1081 : i32 to index
      %get3A_1083 = arith.index_cast %mul3A_828 : i32 to index
      %get3A_1084 = tpu.vector_load %arg4[%get3A_1082, %get3A_1083] {strides = array<i32>} : memref<32x1024xf32, #tpu.memory_space<vmem>>, vector<1x16xf32>,
      %get3A_1085 = vector.shape_cast %get3A_1084 : vector<1x16xf32> to vector<16xf32>
      %min3A_1086 = arith.minimumf %max3A_1075, %get3A_1085 : vector<16xf32>
      %max3A_1087 = arith.maximumf %max3A_1075, %get3A_1085 : vector<16xf32>
      %min3A_1088 = arith.minimumf %max3A_1077, %min3A_1086 : vector<16xf32>
      %max3A_1089 = arith.maximumf %max3A_1077, %min3A_1086 : vector<16xf32>
      %min3A_1090 = arith.minimumf %max3A_1079, %min3A_1088 : vector<16xf32>
      %max3A_1091 = arith.maximumf %max3A_1079, %min3A_1088 : vector<16xf32>
      %max3A_1092 = arith.maximumf %max3A_1080, %min3A_1090 : vector<16xf32>
      %get3A_1093 = arith.constant 22 : i32
      %get3A_1094 = arith.index_cast %get3A_1093 : i32 to index
      %get3A_1095 = arith.index_cast %mul3A_828 : i32 to index
      %get3A_1096 = tpu.vector_load %arg4[%get3A_1094, %get3A_1095] {strides = array<i32>} : memref<32x1024xf32, #tpu.memory_space<vmem>>, vector<1x16xf32>,
      %get3A_1097 = vector.shape_cast %get3A_1096 : vector<1x16xf32> to vector<16xf32>
      %min3A_1098 = arith.minimumf %max3A_1087, %get3A_1097 : vector<16xf32>
      %max3A_1099 = arith.maximumf %max3A_1087, %get3A_1097 : vector<16xf32>
      %min3A_1100 = arith.minimumf %max3A_1089, %min3A_1098 : vector<16xf32>
      %max3A_1101 = arith.maximumf %max3A_1089, %min3A_1098 : vector<16xf32>
      %min3A_1102 = arith.minimumf %max3A_1091, %min3A_1100 : vector<16xf32>
      %max3A_1103 = arith.maximumf %max3A_1091, %min3A_1100 : vector<16xf32>
      %max3A_1104 = arith.maximumf %max3A_1092, %min3A_1102 : vector<16xf32>
      %get3A_1105 = arith.constant 23 : i32
      %get3A_1106 = arith.index_cast %get3A_1105 : i32 to index
      %get3A_1107 = arith.index_cast %mul3A_828 : i32 to index
      %get3A_1108 = tpu.vector_load %arg4[%get3A_1106, %get3A_1107] {strides = array<i32>} : memref<32x1024xf32, #tpu.memory_space<vmem>>, vector<1x16xf32>,
      %get3A_1109 = vector.shape_cast %get3A_1108 : vector<1x16xf32> to vector<16xf32>
      %min3A_1110 = arith.minimumf %max3A_1099, %get3A_1109 : vector<16xf32>
      %max3A_1111 = arith.maximumf %max3A_1099, %get3A_1109 : vector<16xf32>
      %min3A_1112 = arith.minimumf %max3A_1101, %min3A_1110 : vector<16xf32>
      %max3A_1113 = arith.maximumf %max3A_1101, %min3A_1110 : vector<16xf32>
      %min3A_1114 = arith.minimumf %max3A_1103, %min3A_1112 : vector<16xf32>
      %max3A_1115 = arith.maximumf %max3A_1103, %min3A_1112 : vector<16xf32>
      %max3A_1116 = arith.maximumf %max3A_1104, %min3A_1114 : vector<16xf32>
      %get3A_1117 = arith.constant 24 : i32
      %get3A_1118 = arith.index_cast %get3A_1117 : i32 to index
      %get3A_1119 = arith.index_cast %mul3A_828 : i32 to index
      %get3A_1120 = tpu.vector_load %arg4[%get3A_1118, %get3A_1119] {strides = array<i32>} : memref<32x1024xf32, #tpu.memory_space<vmem>>, vector<1x16xf32>,
      %get3A_1121 = vector.shape_cast %get3A_1120 : vector<1x16xf32> to vector<16xf32>
      %min3A_1122 = arith.minimumf %max3A_1111, %get3A_1121 : vector<16xf32>
      %max3A_1123 = arith.maximumf %max3A_1111, %get3A_1121 : vector<16xf32>
      %min3A_1124 = arith.minimumf %max3A_1113, %min3A_1122 : vector<16xf32>
      %max3A_1125 = arith.maximumf %max3A_1113, %min3A_1122 : vector<16xf32>
      %min3A_1126 = arith.minimumf %max3A_1115, %min3A_1124 : vector<16xf32>
      %max3A_1127 = arith.maximumf %max3A_1115, %min3A_1124 : vector<16xf32>
      %max3A_1128 = arith.maximumf %max3A_1116, %min3A_1126 : vector<16xf32>
      %get3A_1129 = arith.constant 25 : i32
      %get3A_1130 = arith.index_cast %get3A_1129 : i32 to index
      %get3A_1131 = arith.index_cast %mul3A_828 : i32 to index
      %get3A_1132 = tpu.vector_load %arg4[%get3A_1130, %get3A_1131] {strides = array<i32>} : memref<32x1024xf32, #tpu.memory_space<vmem>>, vector<1x16xf32>,
      %get3A_1133 = vector.shape_cast %get3A_1132 : vector<1x16xf32> to vector<16xf32>
      %min3A_1134 = arith.minimumf %max3A_1123, %get3A_1133 : vector<16xf32>
      %max3A_1135 = arith.maximumf %max3A_1123, %get3A_1133 : vector<16xf32>
      %min3A_1136 = arith.minimumf %max3A_1125, %min3A_1134 : vector<16xf32>
      %max3A_1137 = arith.maximumf %max3A_1125, %min3A_1134 : vector<16xf32>
      %min3A_1138 = arith.minimumf %max3A_1127, %min3A_1136 : vector<16xf32>
      %max3A_1139 = arith.maximumf %max3A_1127, %min3A_1136 : vector<16xf32>
      %max3A_1140 = arith.maximumf %max3A_1128, %min3A_1138 : vector<16xf32>
      %get3A_1141 = arith.constant 26 : i32
      %get3A_1142 = arith.index_cast %get3A_1141 : i32 to index
      %get3A_1143 = arith.index_cast %mul3A_828 : i32 to index
      %get3A_1144 = tpu.vector_load %arg4[%get3A_1142, %get3A_1143] {strides = array<i32>} : memref<32x1024xf32, #tpu.memory_space<vmem>>, vector<1x16xf32>,
      %get3A_1145 = vector.shape_cast %get3A_1144 : vector<1x16xf32> to vector<16xf32>
      %min3A_1146 = arith.minimumf %max3A_1135, %get3A_1145 : vector<16xf32>
      %max3A_1147 = arith.maximumf %max3A_1135, %get3A_1145 : vector<16xf32>
      %min3A_1148 = arith.minimumf %max3A_1137, %min3A_1146 : vector<16xf32>
      %max3A_1149 = arith.maximumf %max3A_1137, %min3A_1146 : vector<16xf32>
      %min3A_1150 = arith.minimumf %max3A_1139, %min3A_1148 : vector<16xf32>
      %max3A_1151 = arith.maximumf %max3A_1139, %min3A_1148 : vector<16xf32>
      %max3A_1152 = arith.maximumf %max3A_1140, %min3A_1150 : vector<16xf32>
      %get3A_1153 = arith.constant 27 : i32
      %get3A_1154 = arith.index_cast %get3A_1153 : i32 to index
      %get3A_1155 = arith.index_cast %mul3A_828 : i32 to index
      %get3A_1156 = tpu.vector_load %arg4[%get3A_1154, %get3A_1155] {strides = array<i32>} : memref<32x1024xf32, #tpu.memory_space<vmem>>, vector<1x16xf32>,
      %get3A_1157 = vector.shape_cast %get3A_1156 : vector<1x16xf32> to vector<16xf32>
      %min3A_1158 = arith.minimumf %max3A_1147, %get3A_1157 : vector<16xf32>
      %max3A_1159 = arith.maximumf %max3A_1147, %get3A_1157 : vector<16xf32>
      %min3A_1160 = arith.minimumf %max3A_1149, %min3A_1158 : vector<16xf32>
      %max3A_1161 = arith.maximumf %max3A_1149, %min3A_1158 : vector<16xf32>
      %min3A_1162 = arith.minimumf %max3A_1151, %min3A_1160 : vector<16xf32>
      %max3A_1163 = arith.maximumf %max3A_1151, %min3A_1160 : vector<16xf32>
      %max3A_1164 = arith.maximumf %max3A_1152, %min3A_1162 : vector<16xf32>
      %get3A_1165 = arith.constant 28 : i32
      %get3A_1166 = arith.index_cast %get3A_1165 : i32 to index
      %get3A_1167 = arith.index_cast %mul3A_828 : i32 to index
      %get3A_1168 = tpu.vector_load %arg4[%get3A_1166, %get3A_1167] {strides = array<i32>} : memref<32x1024xf32, #tpu.memory_space<vmem>>, vector<1x16xf32>,
      %get3A_1169 = vector.shape_cast %get3A_1168 : vector<1x16xf32> to vector<16xf32>
      %min3A_1170 = arith.minimumf %max3A_1159, %get3A_1169 : vector<16xf32>
      %max3A_1171 = arith.maximumf %max3A_1159, %get3A_1169 : vector<16xf32>
      %min3A_1172 = arith.minimumf %max3A_1161, %min3A_1170 : vector<16xf32>
      %max3A_1173 = arith.maximumf %max3A_1161, %min3A_1170 : vector<16xf32>
      %min3A_1174 = arith.minimumf %max3A_1163, %min3A_1172 : vector<16xf32>
      %max3A_1175 = arith.maximumf %max3A_1163, %min3A_1172 : vector<16xf32>
      %max3A_1176 = arith.maximumf %max3A_1164, %min3A_1174 : vector<16xf32>
      %get3A_1177 = arith.constant 29 : i32
      %get3A_1178 = arith.index_cast %get3A_1177 : i32 to index
      %get3A_1179 = arith.index_cast %mul3A_828 : i32 to index
      %get3A_1180 = tpu.vector_load %arg4[%get3A_1178, %get3A_1179] {strides = array<i32>} : memref<32x1024xf32, #tpu.memory_space<vmem>>, vector<1x16xf32>,
      %get3A_1181 = vector.shape_cast %get3A_1180 : vector<1x16xf32> to vector<16xf32>
      %min3A_1182 = arith.minimumf %max3A_1171, %get3A_1181 : vector<16xf32>
      %max3A_1183 = arith.maximumf %max3A_1171, %get3A_1181 : vector<16xf32>
      %min3A_1184 = arith.minimumf %max3A_1173, %min3A_1182 : vector<16xf32>
      %max3A_1185 = arith.maximumf %max3A_1173, %min3A_1182 : vector<16xf32>
      %min3A_1186 = arith.minimumf %max3A_1175, %min3A_1184 : vector<16xf32>
      %max3A_1187 = arith.maximumf %max3A_1175, %min3A_1184 : vector<16xf32>
      %max3A_1188 = arith.maximumf %max3A_1176, %min3A_1186 : vector<16xf32>
      %get3A_1189 = arith.constant 30 : i32
      %get3A_1190 = arith.index_cast %get3A_1189 : i32 to index
      %get3A_1191 = arith.index_cast %mul3A_828 : i32 to index
      %get3A_1192 = tpu.vector_load %arg4[%get3A_1190, %get3A_1191] {strides = array<i32>} : memref<32x1024xf32, #tpu.memory_space<vmem>>, vector<1x16xf32>,
      %get3A_1193 = vector.shape_cast %get3A_1192 : vector<1x16xf32> to vector<16xf32>
      %min3A_1194 = arith.minimumf %max3A_1183, %get3A_1193 : vector<16xf32>
      %max3A_1195 = arith.maximumf %max3A_1183, %get3A_1193 : vector<16xf32>
      %min3A_1196 = arith.minimumf %max3A_1185, %min3A_1194 : vector<16xf32>
      %max3A_1197 = arith.maximumf %max3A_1185, %min3A_1194 : vector<16xf32>
      %min3A_1198 = arith.minimumf %max3A_1187, %min3A_1196 : vector<16xf32>
      %max3A_1199 = arith.maximumf %max3A_1187, %min3A_1196 : vector<16xf32>
      %max3A_1200 = arith.maximumf %max3A_1188, %min3A_1198 : vector<16xf32>
      %get3A_1201 = arith.constant 31 : i32
      %get3A_1202 = arith.index_cast %get3A_1201 : i32 to index
      %get3A_1203 = arith.index_cast %mul3A_828 : i32 to index
      %get3A_1204 = tpu.vector_load %arg4[%get3A_1202, %get3A_1203] {strides = array<i32>} : memref<32x1024xf32, #tpu.memory_space<vmem>>, vector<1x16xf32>,
      %get3A_1205 = vector.shape_cast %get3A_1204 : vector<1x16xf32> to vector<16xf32>
      %min3A_1206 = arith.minimumf %max3A_1195, %get3A_1205 : vector<16xf32>
      %max3A_1207 = arith.maximumf %max3A_1195, %get3A_1205 : vector<16xf32>
      %min3A_1208 = arith.minimumf %max3A_1197, %min3A_1206 : vector<16xf32>
      %max3A_1209 = arith.maximumf %max3A_1197, %min3A_1206 : vector<16xf32>
      %min3A_1210 = arith.minimumf %max3A_1199, %min3A_1208 : vector<16xf32>
      %max3A_1211 = arith.maximumf %max3A_1199, %min3A_1208 : vector<16xf32>
      %max3A_1212 = arith.maximumf %max3A_1200, %min3A_1210 : vector<16xf32>
      %gt3A_1213 = arith.cmpf ogt, %max3A_1207, %broadcast_in_dim3A_3 : vector<16xf32>
      %select_n3A_1214 = arith.select %gt3A_1213, %broadcast_in_dim3A_7, %broadcast_in_dim3A_5 : vector<16xi1>, vector<16xi32>
      %add3A_1215 = arith.addi %scan3A_22, %select_n3A_1214 : vector<16xi32>
      %gt3A_1216 = arith.cmpf ogt, %max3A_1209, %broadcast_in_dim3A_3 : vector<16xf32>
      %select_n3A_1217 = arith.select %gt3A_1216, %broadcast_in_dim3A_7, %broadcast_in_dim3A_5 : vector<16xi1>, vector<16xi32>
      %add3A_1218 = arith.addi %add3A_1215, %select_n3A_1217 : vector<16xi32>
      %gt3A_1219 = arith.cmpf ogt, %max3A_1211, %broadcast_in_dim3A_3 : vector<16xf32>
      %select_n3A_1220 = arith.select %gt3A_1219, %broadcast_in_dim3A_7, %broadcast_in_dim3A_5 : vector<16xi1>, vector<16xi32>
      %add3A_1221 = arith.addi %add3A_1218, %select_n3A_1220 : vector<16xi32>
      %gt3A_1222 = arith.cmpf ogt, %max3A_1212, %broadcast_in_dim3A_3 : vector<16xf32>
      %select_n3A_1223 = arith.select %gt3A_1222, %broadcast_in_dim3A_7, %broadcast_in_dim3A_5 : vector<16xi1>, vector<16xi32>
      %add3A_1224 = arith.addi %add3A_1221, %select_n3A_1223 : vector<16xi32>
      %mul3A_1225 = arith.constant 4 : i32
      %mul3A_1226 = arith.muli %scan3A_19, %mul3A_1225 : i32
      %add3A_1227 = arith.constant 3 : i32
      %add3A_1228 = arith.addi %mul3A_1226, %add3A_1227 : i32
      %mul3A_1229 = arith.constant 16 : i32
      %mul3A_1230 = arith.muli %add3A_1228, %mul3A_1229 : i32
      %get3A_1231 = arith.constant 0 : i32
      %get3A_1232 = arith.index_cast %get3A_1231 : i32 to index
      %get3A_1233 = arith.index_cast %mul3A_1230 : i32 to index
      %get3A_1234 = tpu.vector_load %arg4[%get3A_1232, %get3A_1233] {strides = array<i32>} : memref<32x1024xf32, #tpu.memory_space<vmem>>, vector<1x16xf32>,
      %get3A_1235 = vector.shape_cast %get3A_1234 : vector<1x16xf32> to vector<16xf32>
      %min3A_1236 = arith.minimumf %broadcast_in_dim3A_3, %get3A_1235 : vector<16xf32>
      %max3A_1237 = arith.maximumf %broadcast_in_dim3A_3, %get3A_1235 : vector<16xf32>
      %min3A_1238 = arith.minimumf %broadcast_in_dim3A_3, %min3A_1236 : vector<16xf32>
      %max3A_1239 = arith.maximumf %broadcast_in_dim3A_3, %min3A_1236 : vector<16xf32>
      %min3A_1240 = arith.minimumf %broadcast_in_dim3A_3, %min3A_1238 : vector<16xf32>
      %max3A_1241 = arith.maximumf %broadcast_in_dim3A_3, %min3A_1238 : vector<16xf32>
      %max3A_1242 = arith.maximumf %broadcast_in_dim3A_3, %min3A_1240 : vector<16xf32>
      %get3A_1243 = arith.constant 1 : i32
      %get3A_1244 = arith.index_cast %get3A_1243 : i32 to index
      %get3A_1245 = arith.index_cast %mul3A_1230 : i32 to index
      %get3A_1246 = tpu.vector_load %arg4[%get3A_1244, %get3A_1245] {strides = array<i32>} : memref<32x1024xf32, #tpu.memory_space<vmem>>, vector<1x16xf32>,
      %get3A_1247 = vector.shape_cast %get3A_1246 : vector<1x16xf32> to vector<16xf32>
      %min3A_1248 = arith.minimumf %max3A_1237, %get3A_1247 : vector<16xf32>
      %max3A_1249 = arith.maximumf %max3A_1237, %get3A_1247 : vector<16xf32>
      %min3A_1250 = arith.minimumf %max3A_1239, %min3A_1248 : vector<16xf32>
      %max3A_1251 = arith.maximumf %max3A_1239, %min3A_1248 : vector<16xf32>
      %min3A_1252 = arith.minimumf %max3A_1241, %min3A_1250 : vector<16xf32>
      %max3A_1253 = arith.maximumf %max3A_1241, %min3A_1250 : vector<16xf32>
      %max3A_1254 = arith.maximumf %max3A_1242, %min3A_1252 : vector<16xf32>
      %get3A_1255 = arith.constant 2 : i32
      %get3A_1256 = arith.index_cast %get3A_1255 : i32 to index
      %get3A_1257 = arith.index_cast %mul3A_1230 : i32 to index
      %get3A_1258 = tpu.vector_load %arg4[%get3A_1256, %get3A_1257] {strides = array<i32>} : memref<32x1024xf32, #tpu.memory_space<vmem>>, vector<1x16xf32>,
      %get3A_1259 = vector.shape_cast %get3A_1258 : vector<1x16xf32> to vector<16xf32>
      %min3A_1260 = arith.minimumf %max3A_1249, %get3A_1259 : vector<16xf32>
      %max3A_1261 = arith.maximumf %max3A_1249, %get3A_1259 : vector<16xf32>
      %min3A_1262 = arith.minimumf %max3A_1251, %min3A_1260 : vector<16xf32>
      %max3A_1263 = arith.maximumf %max3A_1251, %min3A_1260 : vector<16xf32>
      %min3A_1264 = arith.minimumf %max3A_1253, %min3A_1262 : vector<16xf32>
      %max3A_1265 = arith.maximumf %max3A_1253, %min3A_1262 : vector<16xf32>
      %max3A_1266 = arith.maximumf %max3A_1254, %min3A_1264 : vector<16xf32>
      %get3A_1267 = arith.constant 3 : i32
      %get3A_1268 = arith.index_cast %get3A_1267 : i32 to index
      %get3A_1269 = arith.index_cast %mul3A_1230 : i32 to index
      %get3A_1270 = tpu.vector_load %arg4[%get3A_1268, %get3A_1269] {strides = array<i32>} : memref<32x1024xf32, #tpu.memory_space<vmem>>, vector<1x16xf32>,
      %get3A_1271 = vector.shape_cast %get3A_1270 : vector<1x16xf32> to vector<16xf32>
      %min3A_1272 = arith.minimumf %max3A_1261, %get3A_1271 : vector<16xf32>
      %max3A_1273 = arith.maximumf %max3A_1261, %get3A_1271 : vector<16xf32>
      %min3A_1274 = arith.minimumf %max3A_1263, %min3A_1272 : vector<16xf32>
      %max3A_1275 = arith.maximumf %max3A_1263, %min3A_1272 : vector<16xf32>
      %min3A_1276 = arith.minimumf %max3A_1265, %min3A_1274 : vector<16xf32>
      %max3A_1277 = arith.maximumf %max3A_1265, %min3A_1274 : vector<16xf32>
      %max3A_1278 = arith.maximumf %max3A_1266, %min3A_1276 : vector<16xf32>
      %get3A_1279 = arith.constant 4 : i32
      %get3A_1280 = arith.index_cast %get3A_1279 : i32 to index
      %get3A_1281 = arith.index_cast %mul3A_1230 : i32 to index
      %get3A_1282 = tpu.vector_load %arg4[%get3A_1280, %get3A_1281] {strides = array<i32>} : memref<32x1024xf32, #tpu.memory_space<vmem>>, vector<1x16xf32>,
      %get3A_1283 = vector.shape_cast %get3A_1282 : vector<1x16xf32> to vector<16xf32>
      %min3A_1284 = arith.minimumf %max3A_1273, %get3A_1283 : vector<16xf32>
      %max3A_1285 = arith.maximumf %max3A_1273, %get3A_1283 : vector<16xf32>
      %min3A_1286 = arith.minimumf %max3A_1275, %min3A_1284 : vector<16xf32>
      %max3A_1287 = arith.maximumf %max3A_1275, %min3A_1284 : vector<16xf32>
      %min3A_1288 = arith.minimumf %max3A_1277, %min3A_1286 : vector<16xf32>
      %max3A_1289 = arith.maximumf %max3A_1277, %min3A_1286 : vector<16xf32>
      %max3A_1290 = arith.maximumf %max3A_1278, %min3A_1288 : vector<16xf32>
      %get3A_1291 = arith.constant 5 : i32
      %get3A_1292 = arith.index_cast %get3A_1291 : i32 to index
      %get3A_1293 = arith.index_cast %mul3A_1230 : i32 to index
      %get3A_1294 = tpu.vector_load %arg4[%get3A_1292, %get3A_1293] {strides = array<i32>} : memref<32x1024xf32, #tpu.memory_space<vmem>>, vector<1x16xf32>,
      %get3A_1295 = vector.shape_cast %get3A_1294 : vector<1x16xf32> to vector<16xf32>
      %min3A_1296 = arith.minimumf %max3A_1285, %get3A_1295 : vector<16xf32>
      %max3A_1297 = arith.maximumf %max3A_1285, %get3A_1295 : vector<16xf32>
      %min3A_1298 = arith.minimumf %max3A_1287, %min3A_1296 : vector<16xf32>
      %max3A_1299 = arith.maximumf %max3A_1287, %min3A_1296 : vector<16xf32>
      %min3A_1300 = arith.minimumf %max3A_1289, %min3A_1298 : vector<16xf32>
      %max3A_1301 = arith.maximumf %max3A_1289, %min3A_1298 : vector<16xf32>
      %max3A_1302 = arith.maximumf %max3A_1290, %min3A_1300 : vector<16xf32>
      %get3A_1303 = arith.constant 6 : i32
      %get3A_1304 = arith.index_cast %get3A_1303 : i32 to index
      %get3A_1305 = arith.index_cast %mul3A_1230 : i32 to index
      %get3A_1306 = tpu.vector_load %arg4[%get3A_1304, %get3A_1305] {strides = array<i32>} : memref<32x1024xf32, #tpu.memory_space<vmem>>, vector<1x16xf32>,
      %get3A_1307 = vector.shape_cast %get3A_1306 : vector<1x16xf32> to vector<16xf32>
      %min3A_1308 = arith.minimumf %max3A_1297, %get3A_1307 : vector<16xf32>
      %max3A_1309 = arith.maximumf %max3A_1297, %get3A_1307 : vector<16xf32>
      %min3A_1310 = arith.minimumf %max3A_1299, %min3A_1308 : vector<16xf32>
      %max3A_1311 = arith.maximumf %max3A_1299, %min3A_1308 : vector<16xf32>
      %min3A_1312 = arith.minimumf %max3A_1301, %min3A_1310 : vector<16xf32>
      %max3A_1313 = arith.maximumf %max3A_1301, %min3A_1310 : vector<16xf32>
      %max3A_1314 = arith.maximumf %max3A_1302, %min3A_1312 : vector<16xf32>
      %get3A_1315 = arith.constant 7 : i32
      %get3A_1316 = arith.index_cast %get3A_1315 : i32 to index
      %get3A_1317 = arith.index_cast %mul3A_1230 : i32 to index
      %get3A_1318 = tpu.vector_load %arg4[%get3A_1316, %get3A_1317] {strides = array<i32>} : memref<32x1024xf32, #tpu.memory_space<vmem>>, vector<1x16xf32>,
      %get3A_1319 = vector.shape_cast %get3A_1318 : vector<1x16xf32> to vector<16xf32>
      %min3A_1320 = arith.minimumf %max3A_1309, %get3A_1319 : vector<16xf32>
      %max3A_1321 = arith.maximumf %max3A_1309, %get3A_1319 : vector<16xf32>
      %min3A_1322 = arith.minimumf %max3A_1311, %min3A_1320 : vector<16xf32>
      %max3A_1323 = arith.maximumf %max3A_1311, %min3A_1320 : vector<16xf32>
      %min3A_1324 = arith.minimumf %max3A_1313, %min3A_1322 : vector<16xf32>
      %max3A_1325 = arith.maximumf %max3A_1313, %min3A_1322 : vector<16xf32>
      %max3A_1326 = arith.maximumf %max3A_1314, %min3A_1324 : vector<16xf32>
      %get3A_1327 = arith.constant 8 : i32
      %get3A_1328 = arith.index_cast %get3A_1327 : i32 to index
      %get3A_1329 = arith.index_cast %mul3A_1230 : i32 to index
      %get3A_1330 = tpu.vector_load %arg4[%get3A_1328, %get3A_1329] {strides = array<i32>} : memref<32x1024xf32, #tpu.memory_space<vmem>>, vector<1x16xf32>,
      %get3A_1331 = vector.shape_cast %get3A_1330 : vector<1x16xf32> to vector<16xf32>
      %min3A_1332 = arith.minimumf %max3A_1321, %get3A_1331 : vector<16xf32>
      %max3A_1333 = arith.maximumf %max3A_1321, %get3A_1331 : vector<16xf32>
      %min3A_1334 = arith.minimumf %max3A_1323, %min3A_1332 : vector<16xf32>
      %max3A_1335 = arith.maximumf %max3A_1323, %min3A_1332 : vector<16xf32>
      %min3A_1336 = arith.minimumf %max3A_1325, %min3A_1334 : vector<16xf32>
      %max3A_1337 = arith.maximumf %max3A_1325, %min3A_1334 : vector<16xf32>
      %max3A_1338 = arith.maximumf %max3A_1326, %min3A_1336 : vector<16xf32>
      %get3A_1339 = arith.constant 9 : i32
      %get3A_1340 = arith.index_cast %get3A_1339 : i32 to index
      %get3A_1341 = arith.index_cast %mul3A_1230 : i32 to index
      %get3A_1342 = tpu.vector_load %arg4[%get3A_1340, %get3A_1341] {strides = array<i32>} : memref<32x1024xf32, #tpu.memory_space<vmem>>, vector<1x16xf32>,
      %get3A_1343 = vector.shape_cast %get3A_1342 : vector<1x16xf32> to vector<16xf32>
      %min3A_1344 = arith.minimumf %max3A_1333, %get3A_1343 : vector<16xf32>
      %max3A_1345 = arith.maximumf %max3A_1333, %get3A_1343 : vector<16xf32>
      %min3A_1346 = arith.minimumf %max3A_1335, %min3A_1344 : vector<16xf32>
      %max3A_1347 = arith.maximumf %max3A_1335, %min3A_1344 : vector<16xf32>
      %min3A_1348 = arith.minimumf %max3A_1337, %min3A_1346 : vector<16xf32>
      %max3A_1349 = arith.maximumf %max3A_1337, %min3A_1346 : vector<16xf32>
      %max3A_1350 = arith.maximumf %max3A_1338, %min3A_1348 : vector<16xf32>
      %get3A_1351 = arith.constant 10 : i32
      %get3A_1352 = arith.index_cast %get3A_1351 : i32 to index
      %get3A_1353 = arith.index_cast %mul3A_1230 : i32 to index
      %get3A_1354 = tpu.vector_load %arg4[%get3A_1352, %get3A_1353] {strides = array<i32>} : memref<32x1024xf32, #tpu.memory_space<vmem>>, vector<1x16xf32>,
      %get3A_1355 = vector.shape_cast %get3A_1354 : vector<1x16xf32> to vector<16xf32>
      %min3A_1356 = arith.minimumf %max3A_1345, %get3A_1355 : vector<16xf32>
      %max3A_1357 = arith.maximumf %max3A_1345, %get3A_1355 : vector<16xf32>
      %min3A_1358 = arith.minimumf %max3A_1347, %min3A_1356 : vector<16xf32>
      %max3A_1359 = arith.maximumf %max3A_1347, %min3A_1356 : vector<16xf32>
      %min3A_1360 = arith.minimumf %max3A_1349, %min3A_1358 : vector<16xf32>
      %max3A_1361 = arith.maximumf %max3A_1349, %min3A_1358 : vector<16xf32>
      %max3A_1362 = arith.maximumf %max3A_1350, %min3A_1360 : vector<16xf32>
      %get3A_1363 = arith.constant 11 : i32
      %get3A_1364 = arith.index_cast %get3A_1363 : i32 to index
      %get3A_1365 = arith.index_cast %mul3A_1230 : i32 to index
      %get3A_1366 = tpu.vector_load %arg4[%get3A_1364, %get3A_1365] {strides = array<i32>} : memref<32x1024xf32, #tpu.memory_space<vmem>>, vector<1x16xf32>,
      %get3A_1367 = vector.shape_cast %get3A_1366 : vector<1x16xf32> to vector<16xf32>
      %min3A_1368 = arith.minimumf %max3A_1357, %get3A_1367 : vector<16xf32>
      %max3A_1369 = arith.maximumf %max3A_1357, %get3A_1367 : vector<16xf32>
      %min3A_1370 = arith.minimumf %max3A_1359, %min3A_1368 : vector<16xf32>
      %max3A_1371 = arith.maximumf %max3A_1359, %min3A_1368 : vector<16xf32>
      %min3A_1372 = arith.minimumf %max3A_1361, %min3A_1370 : vector<16xf32>
      %max3A_1373 = arith.maximumf %max3A_1361, %min3A_1370 : vector<16xf32>
      %max3A_1374 = arith.maximumf %max3A_1362, %min3A_1372 : vector<16xf32>
      %get3A_1375 = arith.constant 12 : i32
      %get3A_1376 = arith.index_cast %get3A_1375 : i32 to index
      %get3A_1377 = arith.index_cast %mul3A_1230 : i32 to index
      %get3A_1378 = tpu.vector_load %arg4[%get3A_1376, %get3A_1377] {strides = array<i32>} : memref<32x1024xf32, #tpu.memory_space<vmem>>, vector<1x16xf32>,
      %get3A_1379 = vector.shape_cast %get3A_1378 : vector<1x16xf32> to vector<16xf32>
      %min3A_1380 = arith.minimumf %max3A_1369, %get3A_1379 : vector<16xf32>
      %max3A_1381 = arith.maximumf %max3A_1369, %get3A_1379 : vector<16xf32>
      %min3A_1382 = arith.minimumf %max3A_1371, %min3A_1380 : vector<16xf32>
      %max3A_1383 = arith.maximumf %max3A_1371, %min3A_1380 : vector<16xf32>
      %min3A_1384 = arith.minimumf %max3A_1373, %min3A_1382 : vector<16xf32>
      %max3A_1385 = arith.maximumf %max3A_1373, %min3A_1382 : vector<16xf32>
      %max3A_1386 = arith.maximumf %max3A_1374, %min3A_1384 : vector<16xf32>
      %get3A_1387 = arith.constant 13 : i32
      %get3A_1388 = arith.index_cast %get3A_1387 : i32 to index
      %get3A_1389 = arith.index_cast %mul3A_1230 : i32 to index
      %get3A_1390 = tpu.vector_load %arg4[%get3A_1388, %get3A_1389] {strides = array<i32>} : memref<32x1024xf32, #tpu.memory_space<vmem>>, vector<1x16xf32>,
      %get3A_1391 = vector.shape_cast %get3A_1390 : vector<1x16xf32> to vector<16xf32>
      %min3A_1392 = arith.minimumf %max3A_1381, %get3A_1391 : vector<16xf32>
      %max3A_1393 = arith.maximumf %max3A_1381, %get3A_1391 : vector<16xf32>
      %min3A_1394 = arith.minimumf %max3A_1383, %min3A_1392 : vector<16xf32>
      %max3A_1395 = arith.maximumf %max3A_1383, %min3A_1392 : vector<16xf32>
      %min3A_1396 = arith.minimumf %max3A_1385, %min3A_1394 : vector<16xf32>
      %max3A_1397 = arith.maximumf %max3A_1385, %min3A_1394 : vector<16xf32>
      %max3A_1398 = arith.maximumf %max3A_1386, %min3A_1396 : vector<16xf32>
      %get3A_1399 = arith.constant 14 : i32
      %get3A_1400 = arith.index_cast %get3A_1399 : i32 to index
      %get3A_1401 = arith.index_cast %mul3A_1230 : i32 to index
      %get3A_1402 = tpu.vector_load %arg4[%get3A_1400, %get3A_1401] {strides = array<i32>} : memref<32x1024xf32, #tpu.memory_space<vmem>>, vector<1x16xf32>,
      %get3A_1403 = vector.shape_cast %get3A_1402 : vector<1x16xf32> to vector<16xf32>
      %min3A_1404 = arith.minimumf %max3A_1393, %get3A_1403 : vector<16xf32>
      %max3A_1405 = arith.maximumf %max3A_1393, %get3A_1403 : vector<16xf32>
      %min3A_1406 = arith.minimumf %max3A_1395, %min3A_1404 : vector<16xf32>
      %max3A_1407 = arith.maximumf %max3A_1395, %min3A_1404 : vector<16xf32>
      %min3A_1408 = arith.minimumf %max3A_1397, %min3A_1406 : vector<16xf32>
      %max3A_1409 = arith.maximumf %max3A_1397, %min3A_1406 : vector<16xf32>
      %max3A_1410 = arith.maximumf %max3A_1398, %min3A_1408 : vector<16xf32>
      %get3A_1411 = arith.constant 15 : i32
      %get3A_1412 = arith.index_cast %get3A_1411 : i32 to index
      %get3A_1413 = arith.index_cast %mul3A_1230 : i32 to index
      %get3A_1414 = tpu.vector_load %arg4[%get3A_1412, %get3A_1413] {strides = array<i32>} : memref<32x1024xf32, #tpu.memory_space<vmem>>, vector<1x16xf32>,
      %get3A_1415 = vector.shape_cast %get3A_1414 : vector<1x16xf32> to vector<16xf32>
      %min3A_1416 = arith.minimumf %max3A_1405, %get3A_1415 : vector<16xf32>
      %max3A_1417 = arith.maximumf %max3A_1405, %get3A_1415 : vector<16xf32>
      %min3A_1418 = arith.minimumf %max3A_1407, %min3A_1416 : vector<16xf32>
      %max3A_1419 = arith.maximumf %max3A_1407, %min3A_1416 : vector<16xf32>
      %min3A_1420 = arith.minimumf %max3A_1409, %min3A_1418 : vector<16xf32>
      %max3A_1421 = arith.maximumf %max3A_1409, %min3A_1418 : vector<16xf32>
      %max3A_1422 = arith.maximumf %max3A_1410, %min3A_1420 : vector<16xf32>
      %get3A_1423 = arith.constant 16 : i32
      %get3A_1424 = arith.index_cast %get3A_1423 : i32 to index
      %get3A_1425 = arith.index_cast %mul3A_1230 : i32 to index
      %get3A_1426 = tpu.vector_load %arg4[%get3A_1424, %get3A_1425] {strides = array<i32>} : memref<32x1024xf32, #tpu.memory_space<vmem>>, vector<1x16xf32>,
      %get3A_1427 = vector.shape_cast %get3A_1426 : vector<1x16xf32> to vector<16xf32>
      %min3A_1428 = arith.minimumf %max3A_1417, %get3A_1427 : vector<16xf32>
      %max3A_1429 = arith.maximumf %max3A_1417, %get3A_1427 : vector<16xf32>
      %min3A_1430 = arith.minimumf %max3A_1419, %min3A_1428 : vector<16xf32>
      %max3A_1431 = arith.maximumf %max3A_1419, %min3A_1428 : vector<16xf32>
      %min3A_1432 = arith.minimumf %max3A_1421, %min3A_1430 : vector<16xf32>
      %max3A_1433 = arith.maximumf %max3A_1421, %min3A_1430 : vector<16xf32>
      %max3A_1434 = arith.maximumf %max3A_1422, %min3A_1432 : vector<16xf32>
      %get3A_1435 = arith.constant 17 : i32
      %get3A_1436 = arith.index_cast %get3A_1435 : i32 to index
      %get3A_1437 = arith.index_cast %mul3A_1230 : i32 to index
      %get3A_1438 = tpu.vector_load %arg4[%get3A_1436, %get3A_1437] {strides = array<i32>} : memref<32x1024xf32, #tpu.memory_space<vmem>>, vector<1x16xf32>,
      %get3A_1439 = vector.shape_cast %get3A_1438 : vector<1x16xf32> to vector<16xf32>
      %min3A_1440 = arith.minimumf %max3A_1429, %get3A_1439 : vector<16xf32>
      %max3A_1441 = arith.maximumf %max3A_1429, %get3A_1439 : vector<16xf32>
      %min3A_1442 = arith.minimumf %max3A_1431, %min3A_1440 : vector<16xf32>
      %max3A_1443 = arith.maximumf %max3A_1431, %min3A_1440 : vector<16xf32>
      %min3A_1444 = arith.minimumf %max3A_1433, %min3A_1442 : vector<16xf32>
      %max3A_1445 = arith.maximumf %max3A_1433, %min3A_1442 : vector<16xf32>
      %max3A_1446 = arith.maximumf %max3A_1434, %min3A_1444 : vector<16xf32>
      %get3A_1447 = arith.constant 18 : i32
      %get3A_1448 = arith.index_cast %get3A_1447 : i32 to index
      %get3A_1449 = arith.index_cast %mul3A_1230 : i32 to index
      %get3A_1450 = tpu.vector_load %arg4[%get3A_1448, %get3A_1449] {strides = array<i32>} : memref<32x1024xf32, #tpu.memory_space<vmem>>, vector<1x16xf32>,
      %get3A_1451 = vector.shape_cast %get3A_1450 : vector<1x16xf32> to vector<16xf32>
      %min3A_1452 = arith.minimumf %max3A_1441, %get3A_1451 : vector<16xf32>
      %max3A_1453 = arith.maximumf %max3A_1441, %get3A_1451 : vector<16xf32>
      %min3A_1454 = arith.minimumf %max3A_1443, %min3A_1452 : vector<16xf32>
      %max3A_1455 = arith.maximumf %max3A_1443, %min3A_1452 : vector<16xf32>
      %min3A_1456 = arith.minimumf %max3A_1445, %min3A_1454 : vector<16xf32>
      %max3A_1457 = arith.maximumf %max3A_1445, %min3A_1454 : vector<16xf32>
      %max3A_1458 = arith.maximumf %max3A_1446, %min3A_1456 : vector<16xf32>
      %get3A_1459 = arith.constant 19 : i32
      %get3A_1460 = arith.index_cast %get3A_1459 : i32 to index
      %get3A_1461 = arith.index_cast %mul3A_1230 : i32 to index
      %get3A_1462 = tpu.vector_load %arg4[%get3A_1460, %get3A_1461] {strides = array<i32>} : memref<32x1024xf32, #tpu.memory_space<vmem>>, vector<1x16xf32>,
      %get3A_1463 = vector.shape_cast %get3A_1462 : vector<1x16xf32> to vector<16xf32>
      %min3A_1464 = arith.minimumf %max3A_1453, %get3A_1463 : vector<16xf32>
      %max3A_1465 = arith.maximumf %max3A_1453, %get3A_1463 : vector<16xf32>
      %min3A_1466 = arith.minimumf %max3A_1455, %min3A_1464 : vector<16xf32>
      %max3A_1467 = arith.maximumf %max3A_1455, %min3A_1464 : vector<16xf32>
      %min3A_1468 = arith.minimumf %max3A_1457, %min3A_1466 : vector<16xf32>
      %max3A_1469 = arith.maximumf %max3A_1457, %min3A_1466 : vector<16xf32>
      %max3A_1470 = arith.maximumf %max3A_1458, %min3A_1468 : vector<16xf32>
      %get3A_1471 = arith.constant 20 : i32
      %get3A_1472 = arith.index_cast %get3A_1471 : i32 to index
      %get3A_1473 = arith.index_cast %mul3A_1230 : i32 to index
      %get3A_1474 = tpu.vector_load %arg4[%get3A_1472, %get3A_1473] {strides = array<i32>} : memref<32x1024xf32, #tpu.memory_space<vmem>>, vector<1x16xf32>,
      %get3A_1475 = vector.shape_cast %get3A_1474 : vector<1x16xf32> to vector<16xf32>
      %min3A_1476 = arith.minimumf %max3A_1465, %get3A_1475 : vector<16xf32>
      %max3A_1477 = arith.maximumf %max3A_1465, %get3A_1475 : vector<16xf32>
      %min3A_1478 = arith.minimumf %max3A_1467, %min3A_1476 : vector<16xf32>
      %max3A_1479 = arith.maximumf %max3A_1467, %min3A_1476 : vector<16xf32>
      %min3A_1480 = arith.minimumf %max3A_1469, %min3A_1478 : vector<16xf32>
      %max3A_1481 = arith.maximumf %max3A_1469, %min3A_1478 : vector<16xf32>
      %max3A_1482 = arith.maximumf %max3A_1470, %min3A_1480 : vector<16xf32>
      %get3A_1483 = arith.constant 21 : i32
      %get3A_1484 = arith.index_cast %get3A_1483 : i32 to index
      %get3A_1485 = arith.index_cast %mul3A_1230 : i32 to index
      %get3A_1486 = tpu.vector_load %arg4[%get3A_1484, %get3A_1485] {strides = array<i32>} : memref<32x1024xf32, #tpu.memory_space<vmem>>, vector<1x16xf32>,
      %get3A_1487 = vector.shape_cast %get3A_1486 : vector<1x16xf32> to vector<16xf32>
      %min3A_1488 = arith.minimumf %max3A_1477, %get3A_1487 : vector<16xf32>
      %max3A_1489 = arith.maximumf %max3A_1477, %get3A_1487 : vector<16xf32>
      %min3A_1490 = arith.minimumf %max3A_1479, %min3A_1488 : vector<16xf32>
      %max3A_1491 = arith.maximumf %max3A_1479, %min3A_1488 : vector<16xf32>
      %min3A_1492 = arith.minimumf %max3A_1481, %min3A_1490 : vector<16xf32>
      %max3A_1493 = arith.maximumf %max3A_1481, %min3A_1490 : vector<16xf32>
      %max3A_1494 = arith.maximumf %max3A_1482, %min3A_1492 : vector<16xf32>
      %get3A_1495 = arith.constant 22 : i32
      %get3A_1496 = arith.index_cast %get3A_1495 : i32 to index
      %get3A_1497 = arith.index_cast %mul3A_1230 : i32 to index
      %get3A_1498 = tpu.vector_load %arg4[%get3A_1496, %get3A_1497] {strides = array<i32>} : memref<32x1024xf32, #tpu.memory_space<vmem>>, vector<1x16xf32>,
      %get3A_1499 = vector.shape_cast %get3A_1498 : vector<1x16xf32> to vector<16xf32>
      %min3A_1500 = arith.minimumf %max3A_1489, %get3A_1499 : vector<16xf32>
      %max3A_1501 = arith.maximumf %max3A_1489, %get3A_1499 : vector<16xf32>
      %min3A_1502 = arith.minimumf %max3A_1491, %min3A_1500 : vector<16xf32>
      %max3A_1503 = arith.maximumf %max3A_1491, %min3A_1500 : vector<16xf32>
      %min3A_1504 = arith.minimumf %max3A_1493, %min3A_1502 : vector<16xf32>
      %max3A_1505 = arith.maximumf %max3A_1493, %min3A_1502 : vector<16xf32>
      %max3A_1506 = arith.maximumf %max3A_1494, %min3A_1504 : vector<16xf32>
      %get3A_1507 = arith.constant 23 : i32
      %get3A_1508 = arith.index_cast %get3A_1507 : i32 to index
      %get3A_1509 = arith.index_cast %mul3A_1230 : i32 to index
      %get3A_1510 = tpu.vector_load %arg4[%get3A_1508, %get3A_1509] {strides = array<i32>} : memref<32x1024xf32, #tpu.memory_space<vmem>>, vector<1x16xf32>,
      %get3A_1511 = vector.shape_cast %get3A_1510 : vector<1x16xf32> to vector<16xf32>
      %min3A_1512 = arith.minimumf %max3A_1501, %get3A_1511 : vector<16xf32>
      %max3A_1513 = arith.maximumf %max3A_1501, %get3A_1511 : vector<16xf32>
      %min3A_1514 = arith.minimumf %max3A_1503, %min3A_1512 : vector<16xf32>
      %max3A_1515 = arith.maximumf %max3A_1503, %min3A_1512 : vector<16xf32>
      %min3A_1516 = arith.minimumf %max3A_1505, %min3A_1514 : vector<16xf32>
      %max3A_1517 = arith.maximumf %max3A_1505, %min3A_1514 : vector<16xf32>
      %max3A_1518 = arith.maximumf %max3A_1506, %min3A_1516 : vector<16xf32>
      %get3A_1519 = arith.constant 24 : i32
      %get3A_1520 = arith.index_cast %get3A_1519 : i32 to index
      %get3A_1521 = arith.index_cast %mul3A_1230 : i32 to index
      %get3A_1522 = tpu.vector_load %arg4[%get3A_1520, %get3A_1521] {strides = array<i32>} : memref<32x1024xf32, #tpu.memory_space<vmem>>, vector<1x16xf32>,
      %get3A_1523 = vector.shape_cast %get3A_1522 : vector<1x16xf32> to vector<16xf32>
      %min3A_1524 = arith.minimumf %max3A_1513, %get3A_1523 : vector<16xf32>
      %max3A_1525 = arith.maximumf %max3A_1513, %get3A_1523 : vector<16xf32>
      %min3A_1526 = arith.minimumf %max3A_1515, %min3A_1524 : vector<16xf32>
      %max3A_1527 = arith.maximumf %max3A_1515, %min3A_1524 : vector<16xf32>
      %min3A_1528 = arith.minimumf %max3A_1517, %min3A_1526 : vector<16xf32>
      %max3A_1529 = arith.maximumf %max3A_1517, %min3A_1526 : vector<16xf32>
      %max3A_1530 = arith.maximumf %max3A_1518, %min3A_1528 : vector<16xf32>
      %get3A_1531 = arith.constant 25 : i32
      %get3A_1532 = arith.index_cast %get3A_1531 : i32 to index
      %get3A_1533 = arith.index_cast %mul3A_1230 : i32 to index
      %get3A_1534 = tpu.vector_load %arg4[%get3A_1532, %get3A_1533] {strides = array<i32>} : memref<32x1024xf32, #tpu.memory_space<vmem>>, vector<1x16xf32>,
      %get3A_1535 = vector.shape_cast %get3A_1534 : vector<1x16xf32> to vector<16xf32>
      %min3A_1536 = arith.minimumf %max3A_1525, %get3A_1535 : vector<16xf32>
      %max3A_1537 = arith.maximumf %max3A_1525, %get3A_1535 : vector<16xf32>
      %min3A_1538 = arith.minimumf %max3A_1527, %min3A_1536 : vector<16xf32>
      %max3A_1539 = arith.maximumf %max3A_1527, %min3A_1536 : vector<16xf32>
      %min3A_1540 = arith.minimumf %max3A_1529, %min3A_1538 : vector<16xf32>
      %max3A_1541 = arith.maximumf %max3A_1529, %min3A_1538 : vector<16xf32>
      %max3A_1542 = arith.maximumf %max3A_1530, %min3A_1540 : vector<16xf32>
      %get3A_1543 = arith.constant 26 : i32
      %get3A_1544 = arith.index_cast %get3A_1543 : i32 to index
      %get3A_1545 = arith.index_cast %mul3A_1230 : i32 to index
      %get3A_1546 = tpu.vector_load %arg4[%get3A_1544, %get3A_1545] {strides = array<i32>} : memref<32x1024xf32, #tpu.memory_space<vmem>>, vector<1x16xf32>,
      %get3A_1547 = vector.shape_cast %get3A_1546 : vector<1x16xf32> to vector<16xf32>
      %min3A_1548 = arith.minimumf %max3A_1537, %get3A_1547 : vector<16xf32>
      %max3A_1549 = arith.maximumf %max3A_1537, %get3A_1547 : vector<16xf32>
      %min3A_1550 = arith.minimumf %max3A_1539, %min3A_1548 : vector<16xf32>
      %max3A_1551 = arith.maximumf %max3A_1539, %min3A_1548 : vector<16xf32>
      %min3A_1552 = arith.minimumf %max3A_1541, %min3A_1550 : vector<16xf32>
      %max3A_1553 = arith.maximumf %max3A_1541, %min3A_1550 : vector<16xf32>
      %max3A_1554 = arith.maximumf %max3A_1542, %min3A_1552 : vector<16xf32>
      %get3A_1555 = arith.constant 27 : i32
      %get3A_1556 = arith.index_cast %get3A_1555 : i32 to index
      %get3A_1557 = arith.index_cast %mul3A_1230 : i32 to index
      %get3A_1558 = tpu.vector_load %arg4[%get3A_1556, %get3A_1557] {strides = array<i32>} : memref<32x1024xf32, #tpu.memory_space<vmem>>, vector<1x16xf32>,
      %get3A_1559 = vector.shape_cast %get3A_1558 : vector<1x16xf32> to vector<16xf32>
      %min3A_1560 = arith.minimumf %max3A_1549, %get3A_1559 : vector<16xf32>
      %max3A_1561 = arith.maximumf %max3A_1549, %get3A_1559 : vector<16xf32>
      %min3A_1562 = arith.minimumf %max3A_1551, %min3A_1560 : vector<16xf32>
      %max3A_1563 = arith.maximumf %max3A_1551, %min3A_1560 : vector<16xf32>
      %min3A_1564 = arith.minimumf %max3A_1553, %min3A_1562 : vector<16xf32>
      %max3A_1565 = arith.maximumf %max3A_1553, %min3A_1562 : vector<16xf32>
      %max3A_1566 = arith.maximumf %max3A_1554, %min3A_1564 : vector<16xf32>
      %get3A_1567 = arith.constant 28 : i32
      %get3A_1568 = arith.index_cast %get3A_1567 : i32 to index
      %get3A_1569 = arith.index_cast %mul3A_1230 : i32 to index
      %get3A_1570 = tpu.vector_load %arg4[%get3A_1568, %get3A_1569] {strides = array<i32>} : memref<32x1024xf32, #tpu.memory_space<vmem>>, vector<1x16xf32>,
      %get3A_1571 = vector.shape_cast %get3A_1570 : vector<1x16xf32> to vector<16xf32>
      %min3A_1572 = arith.minimumf %max3A_1561, %get3A_1571 : vector<16xf32>
      %max3A_1573 = arith.maximumf %max3A_1561, %get3A_1571 : vector<16xf32>
      %min3A_1574 = arith.minimumf %max3A_1563, %min3A_1572 : vector<16xf32>
      %max3A_1575 = arith.maximumf %max3A_1563, %min3A_1572 : vector<16xf32>
      %min3A_1576 = arith.minimumf %max3A_1565, %min3A_1574 : vector<16xf32>
      %max3A_1577 = arith.maximumf %max3A_1565, %min3A_1574 : vector<16xf32>
      %max3A_1578 = arith.maximumf %max3A_1566, %min3A_1576 : vector<16xf32>
      %get3A_1579 = arith.constant 29 : i32
      %get3A_1580 = arith.index_cast %get3A_1579 : i32 to index
      %get3A_1581 = arith.index_cast %mul3A_1230 : i32 to index
      %get3A_1582 = tpu.vector_load %arg4[%get3A_1580, %get3A_1581] {strides = array<i32>} : memref<32x1024xf32, #tpu.memory_space<vmem>>, vector<1x16xf32>,
      %get3A_1583 = vector.shape_cast %get3A_1582 : vector<1x16xf32> to vector<16xf32>
      %min3A_1584 = arith.minimumf %max3A_1573, %get3A_1583 : vector<16xf32>
      %max3A_1585 = arith.maximumf %max3A_1573, %get3A_1583 : vector<16xf32>
      %min3A_1586 = arith.minimumf %max3A_1575, %min3A_1584 : vector<16xf32>
      %max3A_1587 = arith.maximumf %max3A_1575, %min3A_1584 : vector<16xf32>
      %min3A_1588 = arith.minimumf %max3A_1577, %min3A_1586 : vector<16xf32>
      %max3A_1589 = arith.maximumf %max3A_1577, %min3A_1586 : vector<16xf32>
      %max3A_1590 = arith.maximumf %max3A_1578, %min3A_1588 : vector<16xf32>
      %get3A_1591 = arith.constant 30 : i32
      %get3A_1592 = arith.index_cast %get3A_1591 : i32 to index
      %get3A_1593 = arith.index_cast %mul3A_1230 : i32 to index
      %get3A_1594 = tpu.vector_load %arg4[%get3A_1592, %get3A_1593] {strides = array<i32>} : memref<32x1024xf32, #tpu.memory_space<vmem>>, vector<1x16xf32>,
      %get3A_1595 = vector.shape_cast %get3A_1594 : vector<1x16xf32> to vector<16xf32>
      %min3A_1596 = arith.minimumf %max3A_1585, %get3A_1595 : vector<16xf32>
      %max3A_1597 = arith.maximumf %max3A_1585, %get3A_1595 : vector<16xf32>
      %min3A_1598 = arith.minimumf %max3A_1587, %min3A_1596 : vector<16xf32>
      %max3A_1599 = arith.maximumf %max3A_1587, %min3A_1596 : vector<16xf32>
      %min3A_1600 = arith.minimumf %max3A_1589, %min3A_1598 : vector<16xf32>
      %max3A_1601 = arith.maximumf %max3A_1589, %min3A_1598 : vector<16xf32>
      %max3A_1602 = arith.maximumf %max3A_1590, %min3A_1600 : vector<16xf32>
      %get3A_1603 = arith.constant 31 : i32
      %get3A_1604 = arith.index_cast %get3A_1603 : i32 to index
      %get3A_1605 = arith.index_cast %mul3A_1230 : i32 to index
      %get3A_1606 = tpu.vector_load %arg4[%get3A_1604, %get3A_1605] {strides = array<i32>} : memref<32x1024xf32, #tpu.memory_space<vmem>>, vector<1x16xf32>,
      %get3A_1607 = vector.shape_cast %get3A_1606 : vector<1x16xf32> to vector<16xf32>
      %min3A_1608 = arith.minimumf %max3A_1597, %get3A_1607 : vector<16xf32>
      %max3A_1609 = arith.maximumf %max3A_1597, %get3A_1607 : vector<16xf32>
      %min3A_1610 = arith.minimumf %max3A_1599, %min3A_1608 : vector<16xf32>
      %max3A_1611 = arith.maximumf %max3A_1599, %min3A_1608 : vector<16xf32>
      %min3A_1612 = arith.minimumf %max3A_1601, %min3A_1610 : vector<16xf32>
      %max3A_1613 = arith.maximumf %max3A_1601, %min3A_1610 : vector<16xf32>
      %max3A_1614 = arith.maximumf %max3A_1602, %min3A_1612 : vector<16xf32>
      %gt3A_1615 = arith.cmpf ogt, %max3A_1609, %broadcast_in_dim3A_3 : vector<16xf32>
      %select_n3A_1616 = arith.select %gt3A_1615, %broadcast_in_dim3A_7, %broadcast_in_dim3A_5 : vector<16xi1>, vector<16xi32>
      %add3A_1617 = arith.addi %scan3A_23, %select_n3A_1616 : vector<16xi32>
      %gt3A_1618 = arith.cmpf ogt, %max3A_1611, %broadcast_in_dim3A_3 : vector<16xf32>
      %select_n3A_1619 = arith.select %gt3A_1618, %broadcast_in_dim3A_7, %broadcast_in_dim3A_5 : vector<16xi1>, vector<16xi32>
      %add3A_1620 = arith.addi %add3A_1617, %select_n3A_1619 : vector<16xi32>
      %gt3A_1621 = arith.cmpf ogt, %max3A_1613, %broadcast_in_dim3A_3 : vector<16xf32>
      %select_n3A_1622 = arith.select %gt3A_1621, %broadcast_in_dim3A_7, %broadcast_in_dim3A_5 : vector<16xi1>, vector<16xi32>
      %add3A_1623 = arith.addi %add3A_1620, %select_n3A_1622 : vector<16xi32>
      %gt3A_1624 = arith.cmpf ogt, %max3A_1614, %broadcast_in_dim3A_3 : vector<16xf32>
      %select_n3A_1625 = arith.select %gt3A_1624, %broadcast_in_dim3A_7, %broadcast_in_dim3A_5 : vector<16xi1>, vector<16xi32>
      %add3A_1626 = arith.addi %add3A_1623, %select_n3A_1625 : vector<16xi32>
      scf.yield %add3A_420, %add3A_822, %add3A_1224, %add3A_1626 : vector<16xi32>, vector<16xi32>, vector<16xi32>, vector<16xi32>
    }
    %scan3A_12 = arith.constant 16 : i32
    %add3A_13 = arith.addi %scan3A_11#0, %scan3A_11#1 : vector<16xi32>
    %add3A_14 = arith.addi %scan3A_11#2, %scan3A_11#3 : vector<16xi32>
    %add3A_15 = arith.addi %add3A_13, %add3A_14 : vector<16xi32>
    %swap3A = arith.constant 0 : index
    %swap3A_16 = tpu.vector_load %arg5[%swap3A] {strides = array<i32>} : memref<16xi32, #tpu.memory_space<vmem>>, vector<16xi32>,
    %swap3A_17 = vector.shape_cast %swap3A_16 : vector<16xi32> to vector<16xi32>
    %swap3A_18 = vector.shape_cast %add3A_15 : vector<16xi32> to vector<16xi32>
    tpu.vector_store %arg5[%swap3A], %swap3A_18 {strides = array<i32>} : memref<16xi32, #tpu.memory_space<vmem>>, vector<16xi32>,
    "tpu.region"() ({
      %run_scoped3A = tpu.sem_alloc : memref<!tpu.dma_semaphore, #tpu.memory_space<semaphore_mem>>
      %dma_start3A = arith.constant 0 : i32
      %dma_start3A_19 = tpu.memref_slice %arg3[%add3A, %dma_start3A] : memref<32x16xi32, #tpu.memory_space<hbm>> -> memref<1x16xi32, #tpu.memory_space<hbm>>
      %dma_start3A_20 = tpu.memref_squeeze %dma_start3A_19 : memref<1x16xi32, #tpu.memory_space<hbm>> -> memref<16xi32, #tpu.memory_space<hbm>>
      %dma_start3A_21 = arith.constant 0 : i32
      %dma_start3A_22 = tpu.memref_slice %arg3[%add3A, %dma_start3A_21] : memref<32x16xi32, #tpu.memory_space<hbm>> -> memref<1x16xi32, #tpu.memory_space<hbm>>
      %dma_start3A_23 = tpu.memref_squeeze %dma_start3A_22 : memref<1x16xi32, #tpu.memory_space<hbm>> -> memref<16xi32, #tpu.memory_space<hbm>>
      tpu.enqueue_dma source(%arg5 : memref<16xi32, #tpu.memory_space<vmem>>) target(%dma_start3A_23 : memref<16xi32, #tpu.memory_space<hbm>>) target_semaphore(%run_scoped3A : memref<!tpu.dma_semaphore, #tpu.memory_space<semaphore_mem>>)
      %dma_wait3A = arith.constant 0 : i32
      %dma_wait3A_24 = tpu.memref_slice %arg3[%add3A, %dma_wait3A] : memref<32x16xi32, #tpu.memory_space<hbm>> -> memref<1x16xi32, #tpu.memory_space<hbm>>
      %dma_wait3A_25 = tpu.memref_squeeze %dma_wait3A_24 : memref<1x16xi32, #tpu.memory_space<hbm>> -> memref<16xi32, #tpu.memory_space<hbm>>
      %dma_wait3A_26 = arith.constant 0 : i32
      %dma_wait3A_27 = tpu.memref_slice %arg3[%add3A, %dma_wait3A_26] : memref<32x16xi32, #tpu.memory_space<hbm>> -> memref<1x16xi32, #tpu.memory_space<hbm>>
      %dma_wait3A_28 = tpu.memref_squeeze %dma_wait3A_27 : memref<1x16xi32, #tpu.memory_space<hbm>> -> memref<16xi32, #tpu.memory_space<hbm>>
      tpu.wait_dma2 semaphore(%run_scoped3A : memref<!tpu.dma_semaphore, #tpu.memory_space<semaphore_mem>>) src(%arg5 : memref<16xi32, #tpu.memory_space<vmem>>) dst(%dma_wait3A_28 : memref<16xi32, #tpu.memory_space<hbm>>)
      tpu.yield
    }) : () -> ()
    return
  }
}

module attributes {stable_mosaic.version = 14 : i64} {
  func.func @k(%arg0: memref<32x16xi32, #tpu.memory_space<vmem>>, %arg1: memref<1x1xi32, #tpu.memory_space<smem>>) attributes {dimension_semantics = [], scalar_prefetch = 0 : i64, scratch_operands = 0 : i64, tpu.core_type = #tpu.core_type<tc>} {
    %get3A = arith.constant 0 : index
    %get3A_0 = arith.constant 0 : index
    %get3A_1 = vector.load %arg0[%get3A, %get3A_0] : memref<32x16xi32, #tpu.memory_space<vmem>>, vector<32x16xi32>
    %reduce_sum3A = vector.shape_cast %get3A_1 : vector<32x16xi32> to vector<1x32x16xi32>
    %reduce_sum3A_2 = arith.constant dense<0> : vector<1xi32>
    %reduce_sum3A_3 = vector.multi_reduction <add>, %reduce_sum3A, %reduce_sum3A_2 [1, 2] : vector<1x32x16xi32> to vector<1xi32>
    %reduce_sum3A_4 = vector.shape_cast %reduce_sum3A_3 : vector<1xi32> to vector<1x1x1xi32>
    %reduce_sum3A_5 = vector.extract %reduce_sum3A_4[0, 0, 0] : i32 from vector<1x1x1xi32>
    %swap3A = arith.constant 0 : index
    %swap3A_6 = arith.constant 0 : index
    %swap3A_7 = memref.load %arg1[%swap3A, %swap3A_6] : memref<1x1xi32, #tpu.memory_space<smem>>
    memref.store %reduce_sum3A_5, %arg1[%swap3A, %swap3A_6] : memref<1x1xi32, #tpu.memory_space<smem>>
    return
  }
}

</mosaic_0001>

<sc_bundles>
// kernel: kernel.4.cloned.1.call-start
scs
__scs_entry_jumppad:
0x0: {  	(pc) =	sbr.rel $0x88, $3  }
0x1: {  	(tag) =	ssettag $0x0;
	lr =	simm.s32 $0x1  }
0x2: {  	[smem:$0x3FA0] =	sst lr;
	_ =	strace $0xD0000000  }
0x3: {  	_ = 	snop  }
0x4: {  	_ = 	snop  }
0x5: {  	_ = 	snop  }
0x6: {  	_ = 	snop  }
0x7: {  	_ = 	snop  }
__scs_overlays_trampoline_lowered:
0x8: {  	[smem:$0x3FAF] =	sst s0  }
0x9: {  	[smem:$0x3FB0] =	sst s1  }
0xa: {  	[smem:$0x3FB1] =	sst s2  }
0xb: {  	[smem:$0x3FB2] =	sst s3  }
0xc: {  	[smem:$0x3FB3] =	sst s4  }
0xd: {  	[smem:$0x3FB4] =	sst s5  }
0xe: {  	[smem:$0x3FB5] =	sst s6  }
0xf: {  	[smem:$0x3FB6] =	sst s7  }
0x10: {  	[smem:$0x3FB7] =	sst s8  }
0x11: {  	[smem:$0x3FB8] =	sst s9;
	s0 =	simm.s32 @!p0 $0x0  }
0x12: {  	s1 =	sld [smem:$0x3F9E];
	s0 =	simm.s32 @p0 $0x1  }
0x13: {  	[smem:$0x3FB9] =	sst s0;
	s0 =	simm.s32 @!p1 $0x0  }
0x14: {  	s2 =	sld [smem:$0x3F9D];
	s0 =	simm.s32 @p1 $0x1  }
0x15: {  	[smem:$0x3FBA] =	sst s0;
	s0 =	simm.s32 @!p2 $0x0  }
0x16: {  	s3 =	sld [smem:$0x3FDB];
	s0 =	simm.s32 @p2 $0x1  }
0x17: {  	s4 =	simm.s32 $0x1BF5;
	[smem:$0x3FBC] =	sst s0  }
0x18: {  	s0 =	sld [smem:$0x3F9F];
	_ =	swait.ge [sflag:s4], $0x0  }
0x19: {  	s7 =	sld [smem:$0x3FA0]  }
0x1a: {  	s8 =	sadd.s32 $0xFFFFE003, lr  }
0x1b: {  	s9 =	sadd.s32 $0xFFFFFEF7, lr;
	s5 =	simm.s32 $0xFFFFFFFF;
	p2 =	slt.u32 s8, $0xFFFFF086  }
0x1c: {  	p1 =	slt.u32 s9, $0xF7A;
	s5 =	simm.s32 @!p2 $0x0  }
0x1d: {  	s5 =	simm.s32 @p1 $0x1;
	p0 =	seq.s32 s7, s2  }
0x1e: {  	s7 =	smul.u32 @!p0 $0xF7A, s2;
	p2 =	seq.s32 @!p0 s5, $0x0  }
0x1f: {  	s9 =	smul.u32 $0xF7A, s1;
	s8 =	simm.s32 @!p0 $0x1BF5;
	p2 =	por !p2, p0  }
0x20: {  	[sflag:s8] =	ssyncset.s32 @!p0 $0xFFFFF086;
	s6 =	sadd.s32 @!p0 s3, s7;
	s7 =	simm.s32 @!p0 $0x108  }
0x21: {  	s3 =	sadd.s32 s3, s9;
	s6 =	sadd.s32 @!p0 $0x88, s6;
	s7 =	simm.s32 @p2 $0x1082  }
0x22: {  	[simem:s7], [sflag:s8] =	dma.local @!p0 [hbm:s6], $0xF7A  }
0x23: {  	s9 =	sor.u32 $0xD0000000, s2;
	s6 =	simm.s32 $0x108;
	_ =	swait.ge @!p0 [sflag:s8], $0x0  }
0x24: {  	s3 =	sadd.s32 $0x88, s3;
	s6 =	simm.s32 @!p1 $0x1082;
	[sflag:s4] =	ssyncset.s32 $0xFFFFF086  }
0x25: {  	[simem:s6], [sflag:s4] =	dma.local [hbm:s3], $0xF7A  }
0x26: {  	[smem:$0x3FA0] =	sst s1;
	(tag) =	ssettag s2;
	_ =	strace s9  }
0x27: {  	s1 =	sld [smem:$0x3FB0]  }
0x28: {  	s2 =	sld [smem:$0x3FB1]  }
0x29: {  	s4 =	sld [smem:$0x3FB3]  }
0x2a: {  	p0 =	seq.s32 s5, $0x0;
	s5 =	sld [smem:$0x3FB4]  }
0x2b: {  	s6 =	sld [smem:$0x3FB5]  }
0x2c: {  	s7 =	sld [smem:$0x3FB6]  }
0x2d: {  	s3 =	simm.s32 $0x108;
	s8 =	sld [smem:$0x3FB7]  }
0x2e: {  	s3 =	simm.s32 @!p0 $0x1082;
	s9 =	sld [smem:$0x3FB8]  }
0x2f: {  	lr =	sadd.s32 s0, s3;
	s0 =	sld [smem:$0x3FAF]  }
0x30: {  	s3 =	sld [smem:$0x3FB2]  }
0x31: {  	[smem:$0x3FBB] =	sst s10  }
0x32: {  	s10 =	sld [smem:$0x3FB9];
	_ =	sdelay $0x3  }
0x33: {  	p0 =	seq.s32 s10, $0x1;
	s10 =	sld [smem:$0x3FBB];
	_ =	sdelay $0x3  }
0x34: {  	[smem:$0x3FBB] =	sst s10  }
0x35: {  	s10 =	sld [smem:$0x3FBA];
	_ =	sdelay $0x3  }
0x36: {  	p1 =	seq.s32 s10, $0x1;
	s10 =	sld [smem:$0x3FBB];
	_ =	sdelay $0x3  }
0x37: {  	[smem:$0x3FBB] =	sst s10  }
0x38: {  	s10 =	sld [smem:$0x3FBC]  }
0x39: {  	_ = 	snop;
	(pc) =	sbr.ind lr, $3  }
0x3a: {  	_ = 	snop  }
0x3b: {  	_ = 	snop  }
0x3c: {  	p2 =	seq.s32 s10, $0x1;
	s10 =	sld [smem:$0x3FBB]  }
0x3d: {  	_ =	shalt  }
0x3e: {  	_ =	shalt  }
0x3f: {  	_ =	shalt  }
0x40: {  	_ =	shalt  }
0x41: {  	_ =	shalt  }
0x42: {  	_ =	shalt  }
0x43: {  	_ =	shalt  }
0x44: {  	_ =	shalt  }
0x45: {  	_ =	shalt  }
0x46: {  	_ =	shalt  }
0x47: {  	_ =	shalt  }
0x48: {  	_ =	shalt  }
0x49: {  	_ =	shalt  }
0x4a: {  	_ =	shalt  }
0x4b: {  	_ =	shalt  }
0x4c: {  	_ =	shalt  }
0x4d: {  	_ =	shalt  }
0x4e: {  	_ =	shalt  }
0x4f: {  	_ =	shalt  }
0x50: {  	_ =	shalt  }
0x51: {  	_ =	shalt  }
0x52: {  	_ =	shalt  }
0x53: {  	_ =	shalt  }
0x54: {  	_ =	shalt  }
0x55: {  	_ =	shalt  }
0x56: {  	_ =	shalt  }
0x57: {  	_ =	shalt  }
0x58: {  	_ =	shalt  }
0x59: {  	_ =	shalt  }
0x5a: {  	_ =	shalt  }
0x5b: {  	_ =	shalt  }
0x5c: {  	_ =	shalt  }
0x5d: {  	_ =	shalt  }
0x5e: {  	_ =	shalt  }
0x5f: {  	_ =	shalt  }
0x60: {  	_ =	shalt  }
0x61: {  	_ =	shalt  }
0x62: {  	_ =	shalt  }
0x63: {  	_ =	shalt  }
0x64: {  	_ =	shalt  }
0x65: {  	_ =	shalt  }
0x66: {  	_ =	shalt  }
0x67: {  	_ =	shalt  }
0x68: {  	_ =	shalt  }
0x69: {  	_ =	shalt  }
0x6a: {  	_ =	shalt  }
0x6b: {  	_ =	shalt  }
0x6c: {  	_ =	shalt  }
0x6d: {  	_ =	shalt  }
0x6e: {  	_ =	shalt  }
0x6f: {  	_ =	shalt  }
0x70: {  	_ =	shalt  }
0x71: {  	_ =	shalt  }
0x72: {  	_ =	shalt  }
0x73: {  	_ =	shalt  }
0x74: {  	_ =	shalt  }
0x75: {  	_ =	shalt  }
0x76: {  	_ =	shalt  }
0x77: {  	_ =	shalt  }
0x78: {  	_ =	shalt  }
0x79: {  	_ =	shalt  }
0x7a: {  	_ =	shalt  }
0x7b: {  	_ =	shalt  }
0x7c: {  	_ =	shalt  }
0x7d: {  	_ =	shalt  }
0x7e: {  	_ =	shalt  }
0x7f: {  	_ =	shalt  }
0x80: {  	_ =	shalt  }
0x81: {  	_ =	shalt  }
0x82: {  	_ =	shalt  }
0x83: {  	_ =	shalt  }
0x84: {  	_ =	shalt  }
0x85: {  	_ =	shalt  }
0x86: {  	_ =	shalt  }
0x87: {  	_ =	shalt  }
.Lfunc_end0:
.L_simem_size_0:
called_computation_lowered:
.L_overlay_start_0:
0x88: {  	s2 =	sld [smem:$0x3FD9]  }
0x89: {  	s3 =	sld [smem:$0x3FFE];
	_ =	sdelay $0x1  }
0x8a: {  	s1 =	srdreg.scid  }
0x8b: {  	s0 =	sand.u32 $0x1, s1  }
0x8c: {  	s16 =	sshll.u32 s0, $0xA;
	s2 =	sadd.s32 s3, s2  }
0x8d: {  	s2 =	sadd.s32 s2, s16  }
0x8e: {  	[smem:$0x3FC7] =	sst s2  }
0x8f: {  	_ = 	snop  }
0x90: {  	(tm) =	ssettm $0x1  }
0x91: {  	s17 =	sld [smem:$0x3FFB];
	_ =	sdelay $0x3  }
0x92: {  	_ =	strace s17  }
0x93: {  	s2 =	sld [smem:$0x3FFC];
	_ =	sdelay $0x3  }
0x94: {  	_ =	strace s2  }
0x95: {  	s2 =	sld [smem:$0x3FFD];
	_ =	sdelay $0x3  }
0x96: {  	_ =	strace s2  }
0x97: {  	_ =	strace $0x8FFFFFFF  }
0x98: {  	s18 =	sld [smem:$0x3FDB];
	_ =	sdelay $0x1  }
0x99: {  	s19 =	simm.s32 $_scs_section_size  }
0x9a: {  	s4 =	simm.s32 $_size__tile_overlayer_lowered;
	s5 =	simm.s32 $_tile_overlayer_lowered  }
0x9b: {  	s22 =	simm.s32 $0x1BFF;
	s21 =	sshll.u32 s5, $0x1;
	s2 =	sadd.s32 s19, s18  }
0x9c: {  	s6 =	simm.s32 $0x0;
	s20 =	sshll.u32 s4, $0x1;
	s4 =	sadd.s32 s21, s2  }
0x9d: {  	[timem:s6], [sflag:s22] =	dma.local [hbm:s4], s20  }
0x9e: {  	_ =	swait.ge [sflag:s22], s20  }
0x9f: {  	s3 =	ssub.s32 $0x0, s20;
	[sflag:s22] =	ssyncset.done $0x0  }
0xa0: {  	[sflag:s22] =	ssyncadd.s32 s3;
	_ =	sdelay $0x1  }
0xa1: {  	s23 =	simm.s32 $0x1B8B  }
0xa2: {  	_ =	swait.ge [sflag:s23], $0x1  }
0xa3: {  	[sflag:s23] =	ssyncset.done $0x0  }
0xa4: {  	s25 =	simm.s32 $0x1B8E;
	s24 =	sld [smem:$0x3FFE];
	[sflag:s23] =	ssyncadd.s32 $0xFFFFFFFF  }
0xa5: {  	s26 =	simm.s32 $execute0_lowered;
	[smem:$0x3FD2] =	sst s25  }
0xa6: {  	s4 =	sshll.u32 s26, $0x1;
	_ =	strace $0x80000046;
	[dreg:$0x1] =	wrdreg $0xFFFFFFFF  }
0xa7: {  	s28 =	simm.s32 $_size_execute0_lowered;
	s2 =	sadd.s32 s2, s4;
	[dreg:$0x0] =	wrdreg $0x0  }
0xa8: {  	s4 =	sshll.u32 s28, $0x1;
	[dreg:$0x2] =	wrdreg s2  }
0xa9: {  	[dreg:$0x3] =	wrdreg s4  }
0xaa: {  	[dreg:$0x4] =	wrdreg $0xC0  }
0xab: {  	_ =	task [dreg:s6], $0x5FFFF  }
0xac: {  	[dreg:$0x1] =	wrdreg $0xFFFFFFFF  }
0xad: {  	[dreg:$0x0] =	wrdreg $0x60  }
0xae: {  	[dreg:$0x2] =	wrdreg s24  }
0xaf: {  	[dreg:$0x3] =	wrdreg $0x9  }
0xb0: {  	_ =	task.clear_ibuf [dreg:s6], $0x4FFFF;
	_ =	strace $0x90000046  }
0xb1: {  	s29 =	simm.s32 $0x9;
	_ =	strace $0x80000048  }
0xb2: {  	_ =	swait.ge [sflag:s29], $0x1  }
0xb3: {  	[sflag:s29] =	ssyncadd.s32 $0xFFFFFFFF  }
0xb4: {  	_ =	strace $0x90000048  }
0xb5: {  	_ =	sfence  }
0xb6: {  	s30 =	sld [smem:$0x0];
	_ =	sdelay $0x2  }
0xb7: {  	s31 =	sshll.u32 s1, $0xD;
	s1 =	sshrl.u32 s1, $0x2  }
0xb8: {  	s3 =	sand.u32 $0x4000, s31;
	s1 =	sadd.s32 s1, s30  }
0xb9: {  	s0 =	sor.u32 s3, s0;
	s1 =	sshll.u32 s1, $0x11  }
0xba: {  	s0 =	sor.u32 s1, s0  }
0xbb: {  	s0 =	sadd.s32 $0x8F2B, s0  }
0xbc: {  	[sflag:s0] =	ssyncadd.remote.s32 $0x1  }
0xbd: {  	_ =	sfence.sel $0xFFFF  }
0xbe: {  	[dreg:$0x0] =	wrdreg $0xFFFFFFFF;
	(pc) =	sbr.abs _section_cstart, $3  }
0xbf: {  	[dreg:$0x1] =	wrdreg $0xFFFFFFFF  }
0xc0: {  	_ =	task.clear_ibuf [dreg:s6], $0x2FFFF;
	_ =	strace $0x9FFFFFFF  }
0xc1: {  	(tm) =	ssettm $0x7FFFFFFF  }
tec
execute0_lowered:
.L_overlay_start_1:
0x0: {  	(tag) =	ssettag $0x1  }
0x1: {  	s1 =	srdreg.scid;
	s2 =	stileid.u32  }
0x2: {  	s4 =	simm.s32 $0x0;
	s1 =	sand.u32 $0x1, s1;
	s2 =	sshll.u32 s2, $0x1  }
0x3: {  	[smem:$0x7FF] =	sst s4;
	s2 =	sor.u32 s1, s2  }
0x4: {  	s0 =	rddreg [dreg:$0x0];
	_ =	strace $0x80000047;
	s3 =	sshll.u32 s2, $0xA  }
0x5: {  	s1 =	ssub.s32 $0x2, s1;
	s2 =	sshll.u32 s2, $0x4;
	s3 =	sadd.s32 s3, s0  }
0x6: {  	s29 =	sshrl.u32 s1, $0x1;
	s0 =	sadd.s32 s2, s0;
	s30 =	sadd.s32 $0x600, s3  }
0x7: {  	s1 =	ssub.s32 s1, s29;
	s0 =	sadd.s32 $0x20600, s0;
	[dreg:$0x2] =	wrdreg s30  }
0x8: {  	s31 =	smax.u32 s1, $0x1;
	[dreg:$0x3] =	wrdreg s0  }
0x9: {  	v0 =	vimm.s32 $0x0;
	s3 =	simm.s32 $0x1;
	s1 =	simm.s32 $0x0;
	[dreg:$0x4] =	wrdreg s31  }
.LBB2_1:
0xa: {  	[dreg:$0x5] =	wrdreg s1  }
0xb: {  	s0 =	rddreg [dreg:$0x2];
	s31 =	simm.s32 $0x2000;
	s2 =	simm.s32 $0x40000  }
0xc: {  	[tilespmem:s4], [sflag:$0x1] =	stream.strided.gather [hbm4b:s0+s31], $0x8000, s2, s31, $0x38;
	[tilespmem:$0x8080] =	vst v63  }
0xd: {  	_ =	swait.ge [sflag:s3], $0x8000  }
0xe: {  	v1 =	vimm.s32 $0x0;
	s11 =	simm.s32 $0x30;
	[sflag:s3] =	ssyncset.done $0x0  }
0xf: {  	p0 =	por $0x0, $0x0;
	s23 =	simm.s32 $0x0;
	v2 =	vimm.s32 $0x0;
	v3 =	vimm.s32 $0x0;
	v4 =	vimm.s32 $0x0;
	[sflag:s3] =	ssyncadd.s32 $0xFFFF8000  }
.LBB2_2:
0x10: {  	s2 =	sadd.s32 $0xFFFFFFD0, s11  }
0x11: {  	s3 =	sand.u32 $0x40, s23;
	s6 =	sand.u32 $0x1C00, s2  }
0x12: {  	s0 =	sor.u32 s3, s6  }
0x13: {  	s1 =	simm.s32 $0x1;
	v5 =	vld [tilespmem:s0+$0x0]  }
0x14: {  	s1 =	simm.s32 @!p0 $0x0;
	v6 =	vld [tilespmem:s0+$0x80]  }
0x15: {  	s1 =	sshll.u32 s1, $0x6  }
0x16: {  	v7 =	vld [tilespmem:s0+$0x100];
	s14 =	sadd.s32 s11, s1  }
0x17: {  	v8 =	vld [tilespmem:s0+$0x180];
	s5 =	sadd.s32 $0xFFFFFFD0, s14  }
0x18: {  	s7 =	sor.u32 $0x200, s5  }
0x19: {  	v12 =	vld [tilespmem:s7+$0x0];
	v9 =	vmin.f32 v5, $-Inf;
	v10 =	vmin.f32 v5, v6  }
0x1a: {  	v5 =	vmax.f32 v5, v6;
	v6 =	vmin.f32 v9, v10;
	v10 =	vmax.f32 v9, v10  }
0x1b: {  	s8 =	sor.u32 $0x280, s5;
	v11 =	vmin.f32 v5, v7;
	v5 =	vmax.f32 v5, v7;
	v6 =	vmax.f32 v9, v6  }
0x1c: {  	v19 =	vld [tilespmem:s8+$0x0];
	v17 =	vmin.f32 v10, v11;
	v7 =	vmax.f32 v10, v11;
	v20 =	vmin.f32 v5, v8  }
0x1d: {  	s0 =	sor.u32 $0x300, s5;
	v5 =	vmax.f32 v5, v8;
	v18 =	vmin.f32 v6, v17;
	v9 =	vmax.f32 v6, v17  }
0x1e: {  	s9 =	sor.u32 s2, s23;
	v13 =	vld [tilespmem:s0+$0x0];
	v21 =	vmin.f32 v7, v20;
	v7 =	vmax.f32 v7, v20;
	v23 =	vmin.f32 v5, v12  }
0x1f: {  	s0 =	sor.u32 $0x380, s9;
	v5 =	vmax.f32 v5, v12;
	v6 =	vmax.f32 v6, v18;
	v22 =	vmin.f32 v9, v21  }
0x20: {  	v14 =	vld [tilespmem:s0+$0x0];
	v8 =	vmax.f32 v9, v21;
	v24 =	vmin.f32 v7, v23;
	v7 =	vmax.f32 v7, v23  }
0x21: {  	[dreg:$0x6] =	wrdreg s1;
	s1 =	sor.u32 $0x2000, s6;
	v12 =	vmin.f32 v5, v19;
	v5 =	vmax.f32 v5, v19;
	v6 =	vmax.f32 v6, v22  }
0x22: {  	s10 =	sor.u32 s3, s1;
	v25 =	vmin.f32 v8, v24;
	v8 =	vmax.f32 v8, v24;
	v26 =	vmin.f32 v7, v12  }
0x23: {  	s4 =	sor.u32 $0x2080, s6;
	v27 =	vld [tilespmem:s10+$0x0];
	v7 =	vmax.f32 v7, v12;
	v28 =	vmin.f32 v5, v13;
	v5 =	vmax.f32 v5, v13  }
0x24: {  	s12 =	sor.u32 s3, s4;
	v6 =	vmax.f32 v6, v25;
	v10 =	vmin.f32 v8, v26;
	v8 =	vmax.f32 v8, v26  }
0x25: {  	v32 =	vld [tilespmem:s12+$0x0];
	s5 =	sor.u32 $0x2100, s6;
	v29 =	vmin.f32 v7, v28;
	v7 =	vmax.f32 v7, v28;
	v31 =	vmin.f32 v5, v14  }
0x26: {  	s13 =	sor.u32 s3, s5;
	v5 =	vmax.f32 v5, v14;
	v6 =	vmax.f32 v6, v10;
	v30 =	vmin.f32 v8, v29  }
0x27: {  	v36 =	vld [tilespmem:s13+$0x0];
	v8 =	vmax.f32 v8, v29;
	v33 =	vmin.f32 v7, v31;
	v7 =	vmax.f32 v7, v31  }
0x28: {  	[dreg:$0x7] =	wrdreg s2;
	s2 =	sor.u32 $0x2180, s6;
	v35 =	vmin.f32 v5, v27;
	v5 =	vmax.f32 v5, v27;
	v6 =	vmax.f32 v6, v30  }
0x29: {  	s15 =	sor.u32 s3, s2;
	v34 =	vmin.f32 v8, v33;
	v8 =	vmax.f32 v8, v33;
	v37 =	vmin.f32 v7, v35  }
0x2a: {  	v39 =	vld [tilespmem:s15+$0x0];
	s8 =	sor.u32 $0x2200, s6;
	v7 =	vmax.f32 v7, v35;
	v40 =	vmin.f32 v5, v32;
	v5 =	vmax.f32 v5, v32  }
0x2b: {  	s16 =	sor.u32 s3, s8;
	v6 =	vmax.f32 v6, v34;
	v38 =	vmin.f32 v8, v37;
	v8 =	vmax.f32 v8, v37  }
0x2c: {  	s9 =	sor.u32 $0x2280, s6;
	v44 =	vld [tilespmem:s16+$0x0];
	v41 =	vmin.f32 v7, v40;
	v7 =	vmax.f32 v7, v40;
	v43 =	vmin.f32 v5, v36  }
0x2d: {  	s17 =	sor.u32 s3, s9;
	v5 =	vmax.f32 v5, v36;
	v6 =	vmax.f32 v6, v38;
	v42 =	vmin.f32 v8, v41  }
0x2e: {  	v48 =	vld [tilespmem:s17+$0x0];
	v8 =	vmax.f32 v8, v41;
	v45 =	vmin.f32 v7, v43;
	v7 =	vmax.f32 v7, v43  }
0x2f: {  	s7 =	sor.u32 $0x2300, s6;
	v47 =	vmin.f32 v5, v39;
	v5 =	vmax.f32 v5, v39;
	v6 =	vmax.f32 v6, v42  }
0x30: {  	s18 =	sor.u32 s3, s7;
	v46 =	vmin.f32 v8, v45;
	v8 =	vmax.f32 v8, v45;
	v49 =	vmin.f32 v7, v47  }
0x31: {  	s15 =	sor.u32 $0x2380, s6;
	v51 =	vld [tilespmem:s18+$0x0];
	v7 =	vmax.f32 v7, v47;
	v52 =	vmin.f32 v5, v44;
	v5 =	vmax.f32 v5, v44  }
0x32: {  	s19 =	sor.u32 s3, s15;
	v6 =	vmax.f32 v6, v46;
	v50 =	vmin.f32 v8, v49;
	v8 =	vmax.f32 v8, v49  }
0x33: {  	v56 =	vld [tilespmem:s19+$0x0];
	s16 =	sor.u32 $0x4000, s6;
	v53 =	vmin.f32 v7, v52;
	v7 =	vmax.f32 v7, v52;
	v55 =	vmin.f32 v5, v48  }
0x34: {  	s20 =	sor.u32 s3, s16;
	v5 =	vmax.f32 v5, v48;
	v6 =	vmax.f32 v6, v50;
	v54 =	vmin.f32 v8, v53  }
0x35: {  	v60 =	vld [tilespmem:s20+$0x0];
	v8 =	vmax.f32 v8, v53;
	v57 =	vmin.f32 v7, v55;
	v7 =	vmax.f32 v7, v55  }
0x36: {  	s13 =	sor.u32 $0x4080, s6;
	v59 =	vmin.f32 v5, v51;
	v5 =	vmax.f32 v5, v51;
	v6 =	vmax.f32 v6, v54  }
0x37: {  	s21 =	sor.u32 s3, s13;
	v58 =	vmin.f32 v8, v57;
	v8 =	vmax.f32 v8, v57;
	v61 =	vmin.f32 v7, v59  }
0x38: {  	s18 =	sor.u32 $0x4100, s6;
	v63 =	vld [tilespmem:s21+$0x0];
	v7 =	vmax.f32 v7, v59;
	v13 =	vmin.f32 v5, v56;
	v5 =	vmax.f32 v5, v56  }
0x39: {  	s22 =	sor.u32 s3, s18;
	v6 =	vmax.f32 v6, v58;
	v62 =	vmin.f32 v8, v61;
	v8 =	vmax.f32 v8, v61  }
0x3a: {  	s19 =	sor.u32 $0x4180, s6;
	v18 =	vld [tilespmem:s22+$0x0];
	v15 =	vmin.f32 v7, v13;
	v7 =	vmax.f32 v7, v13;
	v17 =	vmin.f32 v5, v60  }
0x3b: {  	s24 =	sor.u32 s3, s19;
	v5 =	vmax.f32 v5, v60;
	v6 =	vmax.f32 v6, v62;
	v16 =	vmin.f32 v8, v15  }
0x3c: {  	v22 =	vld [tilespmem:s24+$0x0];
	v8 =	vmax.f32 v8, v15;
	v19 =	vmin.f32 v7, v17;
	v7 =	vmax.f32 v7, v17  }
0x3d: {  	s17 =	sor.u32 $0x4200, s6;
	v21 =	vmin.f32 v5, v63;
	v5 =	vmax.f32 v5, v63;
	v6 =	vmax.f32 v6, v16  }
0x3e: {  	s25 =	sor.u32 s3, s17;
	v20 =	vmin.f32 v8, v19;
	v8 =	vmax.f32 v8, v19;
	v23 =	vmin.f32 v7, v21  }
0x3f: {  	s21 =	sor.u32 $0x4280, s6;
	v25 =	vld [tilespmem:s25+$0x0];
	v7 =	vmax.f32 v7, v21;
	v26 =	vmin.f32 v5, v18;
	v5 =	vmax.f32 v5, v18  }
0x40: {  	s26 =	sor.u32 s3, s21;
	v6 =	vmax.f32 v6, v20;
	v24 =	vmin.f32 v8, v23;
	v8 =	vmax.f32 v8, v23  }
0x41: {  	s22 =	sor.u32 $0x4300, s6;
	v30 =	vld [tilespmem:s26+$0x0];
	v27 =	vmin.f32 v7, v26;
	v7 =	vmax.f32 v7, v26;
	v29 =	vmin.f32 v5, v22  }
0x42: {  	s28 =	sor.u32 s3, s22;
	v5 =	vmax.f32 v5, v22;
	v6 =	vmax.f32 v6, v24;
	v28 =	vmin.f32 v8, v27  }
0x43: {  	s20 =	sor.u32 $0x4380, s6;
	v34 =	vld [tilespmem:s28+$0x0];
	v8 =	vmax.f32 v8, v27;
	v31 =	vmin.f32 v7, v29;
	v7 =	vmax.f32 v7, v29  }
0x44: {  	s29 =	sor.u32 s3, s20;
	s25 =	sor.u32 $0x6000, s6;
	v33 =	vmin.f32 v5, v25;
	v5 =	vmax.f32 v5, v25;
	v6 =	vmax.f32 v6, v28  }
0x45: {  	s30 =	sor.u32 s3, s25;
	s26 =	sor.u32 $0x6080, s6;
	v37 =	vld [tilespmem:s29+$0x0];
	v32 =	vmin.f32 v8, v31;
	v8 =	vmax.f32 v8, v31;
	v35 =	vmin.f32 v7, v33  }
0x46: {  	s31 =	sor.u32 s3, s26;
	s28 =	sor.u32 $0x6180, s6;
	v42 =	vld [tilespmem:s30+$0x0];
	v7 =	vmax.f32 v7, v33;
	v38 =	vmin.f32 v5, v30;
	v5 =	vmax.f32 v5, v30  }
0x47: {  	s12 =	sor.u32 s3, s28;
	v46 =	vld [tilespmem:s31+$0x0];
	s31 =	sor.u32 $0x6280, s6;
	v6 =	vmax.f32 v6, v32;
	v36 =	vmin.f32 v8, v35;
	v8 =	vmax.f32 v8, v35  }
0x48: {  	[dreg:$0x8] =	wrdreg s31;
	s0 =	sor.u32 s3, s31;
	s31 =	sor.u32 $0x6380, s6;
	v54 =	vld [tilespmem:s12+$0x0];
	v39 =	vmin.f32 v7, v38;
	v7 =	vmax.f32 v7, v38;
	v41 =	vmin.f32 v5, v34  }
0x49: {  	v59 =	vld [tilespmem:s0+$0x0];
	s12 =	sor.u32 s3, s31;
	s0 =	sor.u32 $0x10, s3;
	v5 =	vmax.f32 v5, v34;
	v6 =	vmax.f32 v6, v36;
	v40 =	vmin.f32 v8, v39  }
0x4a: {  	v19 =	vld [tilespmem:s12+$0x0];
	s12 =	sor.u32 s0, s6;
	v8 =	vmax.f32 v8, v39;
	v43 =	vmin.f32 v7, v41;
	v7 =	vmax.f32 v7, v41  }
0x4b: {  	s24 =	sor.u32 $0x6100, s6;
	v29 =	vld [tilespmem:s12+$0x0];
	v45 =	vmin.f32 v5, v37;
	v5 =	vmax.f32 v5, v37;
	v6 =	vmax.f32 v6, v40  }
0x4c: {  	s10 =	sor.u32 s3, s24;
	v44 =	vmin.f32 v8, v43;
	v8 =	vmax.f32 v8, v43;
	v47 =	vmin.f32 v7, v45  }
0x4d: {  	v49 =	vld [tilespmem:s10+$0x0];
	v7 =	vmax.f32 v7, v45;
	v50 =	vmin.f32 v5, v42;
	v5 =	vmax.f32 v5, v42  }
0x4e: {  	v6 =	vmax.f32 v6, v44;
	v48 =	vmin.f32 v8, v47;
	v8 =	vmax.f32 v8, v47  }
0x4f: {  	v51 =	vmin.f32 v7, v50;
	v7 =	vmax.f32 v7, v50;
	v53 =	vmin.f32 v5, v46  }
0x50: {  	s30 =	sor.u32 $0x6200, s6;
	v5 =	vmax.f32 v5, v46;
	v33 =	vmin.f32 v29, $-Inf;
	v6 =	vmax.f32 v6, v48  }
0x51: {  	s29 =	sor.u32 s3, s30;
	v52 =	vmin.f32 v8, v51;
	v8 =	vmax.f32 v8, v51;
	v55 =	vmin.f32 v7, v53  }
0x52: {  	v56 =	vld [tilespmem:s29+$0x0];
	v7 =	vmax.f32 v7, v53;
	v14 =	vmin.f32 v5, v49;
	v5 =	vmax.f32 v5, v49  }
0x53: {  	v6 =	vmax.f32 v6, v52;
	v57 =	vmin.f32 v8, v55;
	v8 =	vmax.f32 v8, v55  }
0x54: {  	s29 =	sor.u32 $0x6300, s6;
	v58 =	vmin.f32 v7, v14;
	v7 =	vmax.f32 v7, v14;
	v61 =	vmin.f32 v5, v54  }
0x55: {  	s10 =	sor.u32 s3, s29;
	v5 =	vmax.f32 v5, v54;
	v6 =	vmax.f32 v6, v57;
	v60 =	vmin.f32 v8, v58  }
0x56: {  	v63 =	vld [tilespmem:s10+$0x0];
	v8 =	vmax.f32 v8, v58;
	v62 =	vmin.f32 v7, v61;
	v7 =	vmax.f32 v7, v61  }
0x57: {  	v17 =	vmin.f32 v5, v56;
	v5 =	vmax.f32 v5, v56;
	v6 =	vmax.f32 v6, v60  }
0x58: {  	v16 =	vmin.f32 v8, v62;
	v8 =	vmax.f32 v8, v62;
	v18 =	vmin.f32 v7, v17  }
0x59: {  	v7 =	vmax.f32 v7, v17;
	v21 =	vmin.f32 v5, v59;
	v5 =	vmax.f32 v5, v59  }
0x5a: {  	v6 =	vmax.f32 v6, v16;
	v20 =	vmin.f32 v8, v18;
	v8 =	vmax.f32 v8, v18  }
0x5b: {  	v22 =	vmin.f32 v7, v21;
	v7 =	vmax.f32 v7, v21;
	v24 =	vmin.f32 v5, v63  }
0x5c: {  	v5 =	vmax.f32 v5, v63;
	v6 =	vmax.f32 v6, v20;
	v23 =	vmin.f32 v8, v22  }
0x5d: {  	v8 =	vmax.f32 v8, v22;
	v25 =	vmin.f32 v7, v24;
	v7 =	vmax.f32 v7, v24  }
0x5e: {  	v27 =	vmin.f32 v5, v19;
	v5 =	vmax.f32 v5, v19;
	v6 =	vmax.f32 v6, v23  }
0x5f: {  	v26 =	vmin.f32 v8, v25;
	v8 =	vmax.f32 v8, v25;
	v28 =	vmin.f32 v7, v27  }
0x60: {  	v7 =	vmax.f32 v7, v27;
	vm0 =	vlt.f32 v5, $-Inf;
	vm1 =	vgt.f32 v5, $-Inf  }
0x61: {  	v6 =	vmax.f32 v6, v26;
	v5 =	vmin.f32 v8, v28;
	v8 =	vmax.f32 v8, v28  }
0x62: {  	vm0 =	vmor vm1, vm0;
	vm15 =	vlt.f32 v7, $-Inf;
	vm4 =	vgt.f32 v7, $-Inf;
	v7 =	vld [tilespmem:s12+$0x80]  }
0x63: {  	v30 =	vsel vm0, $0x1, v0;
	v5 =	vmax.f32 v6, v5;
	vm0 =	vmor vm4, vm15  }
0x64: {  	v31 =	vld [tilespmem:s12+$0x100];
	vm5 =	vlt.f32 v8, $-Inf;
	vm6 =	vgt.f32 v8, $-Inf;
	v4 =	vadd.s32 v30, v4  }
0x65: {  	v6 =	vsel vm0, $0x1, v0;
	vm0 =	vmor vm6, vm5;
	vm7 =	vlt.f32 v5, $-Inf  }
0x66: {  	v32 =	vld [tilespmem:s12+$0x180];
	s12 =	sadd.s32 $0xFFFFFFE0, s14;
	vm2 =	vgt.f32 v5, $-Inf;
	v4 =	vadd.s32 v6, v4;
	v5 =	vsel vm0, $0x1, v0  }
0x67: {  	[dreg:$0x9] =	wrdreg s14;
	s14 =	sor.u32 $0x200, s12;
	vm8 =	vmor vm2, vm7;
	v4 =	vadd.s32 v5, v4;
	v6 =	vmin.f32 v29, v7  }
0x68: {  	v34 =	vld [tilespmem:s14+$0x0];
	v7 =	vmax.f32 v29, v7;
	v35 =	vmin.f32 v33, v6;
	v36 =	vmax.f32 v33, v6  }
0x69: {  	s10 =	sor.u32 $0x280, s12;
	v37 =	vmin.f32 v7, v31;
	v6 =	vsel vm8, $0x1, v0;
	v7 =	vmax.f32 v7, v31  }
0x6a: {  	v15 =	vld [tilespmem:s10+$0x0];
	v11 =	vmax.f32 v33, v35;
	v38 =	vmin.f32 v36, v37;
	v39 =	vmax.f32 v36, v37  }
0x6b: {  	v41 =	vmin.f32 v7, v32;
	v7 =	vmax.f32 v7, v32;
	v4 =	vadd.s32 v6, v4  }
0x6c: {  	s10 =	sor.u32 $0x300, s12;
	v40 =	vmin.f32 v11, v38;
	v12 =	vmax.f32 v11, v38;
	v42 =	vmin.f32 v39, v41  }
0x6d: {  	v43 =	vld [tilespmem:s10+$0x0];
	v10 =	vmax.f32 v39, v41;
	v45 =	vmin.f32 v7, v34;
	v7 =	vmax.f32 v7, v34  }
0x6e: {  	s12 =	sor.u32 $0x380, s12;
	v11 =	vmax.f32 v11, v40;
	v44 =	vmin.f32 v12, v42;
	v8 =	vmax.f32 v12, v42  }
0x6f: {  	v47 =	vld [tilespmem:s12+$0x0];
	v46 =	vmin.f32 v10, v45;
	v10 =	vmax.f32 v10, v45;
	v16 =	vmin.f32 v7, v15  }
0x70: {  	s14 =	sor.u32 s0, s1;
	v7 =	vmax.f32 v7, v15;
	v11 =	vmax.f32 v11, v44;
	v48 =	vmin.f32 v8, v46  }
0x71: {  	v51 =	vld [tilespmem:s14+$0x0];
	v8 =	vmax.f32 v8, v46;
	v50 =	vmin.f32 v10, v16;
	v10 =	vmax.f32 v10, v16  }
0x72: {  	v53 =	vmin.f32 v7, v43;
	v7 =	vmax.f32 v7, v43;
	v49 =	vmax.f32 v11, v48  }
0x73: {  	s10 =	sor.u32 s0, s4;
	v52 =	vmin.f32 v8, v50;
	v8 =	vmax.f32 v8, v50;
	v54 =	vmin.f32 v10, v53  }
0x74: {  	v55 =	vld [tilespmem:s10+$0x0];
	v10 =	vmax.f32 v10, v53;
	v57 =	vmin.f32 v7, v47;
	v7 =	vmax.f32 v7, v47  }
0x75: {  	s14 =	sor.u32 s0, s5;
	v9 =	vmax.f32 v49, v52;
	v56 =	vmin.f32 v8, v54;
	v8 =	vmax.f32 v8, v54  }
0x76: {  	v59 =	vld [tilespmem:s14+$0x0];
	v58 =	vmin.f32 v10, v57;
	v10 =	vmax.f32 v10, v57;
	v61 =	vmin.f32 v7, v51  }
0x77: {  	s10 =	sor.u32 s0, s2;
	v7 =	vmax.f32 v7, v51;
	v9 =	vmax.f32 v9, v56;
	v60 =	vmin.f32 v8, v58  }
0x78: {  	v63 =	vld [tilespmem:s10+$0x0];
	v8 =	vmax.f32 v8, v58;
	v62 =	vmin.f32 v10, v61;
	v10 =	vmax.f32 v10, v61  }
0x79: {  	v18 =	vmin.f32 v7, v55;
	v7 =	vmax.f32 v7, v55;
	v9 =	vmax.f32 v9, v60  }
0x7a: {  	s14 =	sor.u32 s0, s8;
	v17 =	vmin.f32 v8, v62;
	v8 =	vmax.f32 v8, v62;
	v19 =	vmin.f32 v10, v18  }
0x7b: {  	v20 =	vld [tilespmem:s14+$0x0];
	v10 =	vmax.f32 v10, v18;
	v21 =	vmin.f32 v7, v59;
	v7 =	vmax.f32 v7, v59  }
0x7c: {  	s10 =	sor.u32 s0, s9;
	v9 =	vmax.f32 v9, v17;
	v13 =	vmin.f32 v8, v19;
	v8 =	vmax.f32 v8, v19  }
0x7d: {  	v23 =	vld [tilespmem:s10+$0x0];
	v22 =	vmin.f32 v10, v21;
	v10 =	vmax.f32 v10, v21;
	v25 =	vmin.f32 v7, v63  }
0x7e: {  	s14 =	sor.u32 s0, s7;
	v7 =	vmax.f32 v7, v63;
	v9 =	vmax.f32 v9, v13;
	v24 =	vmin.f32 v8, v22  }
0x7f: {  	v27 =	vld [tilespmem:s14+$0x0];
	v8 =	vmax.f32 v8, v22;
	v26 =	vmin.f32 v10, v25;
	v10 =	vmax.f32 v10, v25  }
0x80: {  	v29 =	vmin.f32 v7, v20;
	v7 =	vmax.f32 v7, v20;
	v9 =	vmax.f32 v9, v24  }
0x81: {  	s10 =	sor.u32 s0, s15;
	v28 =	vmin.f32 v8, v26;
	v8 =	vmax.f32 v8, v26;
	v30 =	vmin.f32 v10, v29  }
0x82: {  	v31 =	vld [tilespmem:s10+$0x0];
	v10 =	vmax.f32 v10, v29;
	v33 =	vmin.f32 v7, v23;
	v7 =	vmax.f32 v7, v23  }
0x83: {  	s14 =	sor.u32 s0, s16;
	v9 =	vmax.f32 v9, v28;
	v32 =	vmin.f32 v8, v30;
	v8 =	vmax.f32 v8, v30  }
0x84: {  	v35 =	vld [tilespmem:s14+$0x0];
	v34 =	vmin.f32 v10, v33;
	v10 =	vmax.f32 v10, v33;
	v37 =	vmin.f32 v7, v27  }
0x85: {  	s10 =	sor.u32 s0, s13;
	v7 =	vmax.f32 v7, v27;
	v9 =	vmax.f32 v9, v32;
	v36 =	vmin.f32 v8, v34  }
0x86: {  	v39 =	vld [tilespmem:s10+$0x0];
	v8 =	vmax.f32 v8, v34;
	v38 =	vmin.f32 v10, v37;
	v10 =	vmax.f32 v10, v37  }
0x87: {  	v41 =	vmin.f32 v7, v31;
	v7 =	vmax.f32 v7, v31;
	v9 =	vmax.f32 v9, v36  }
0x88: {  	s14 =	sor.u32 s0, s18;
	v40 =	vmin.f32 v8, v38;
	v8 =	vmax.f32 v8, v38;
	v42 =	vmin.f32 v10, v41  }
0x89: {  	v43 =	vld [tilespmem:s14+$0x0];
	v10 =	vmax.f32 v10, v41;
	v45 =	vmin.f32 v7, v35;
	v7 =	vmax.f32 v7, v35  }
0x8a: {  	s10 =	sor.u32 s0, s19;
	v9 =	vmax.f32 v9, v40;
	v44 =	vmin.f32 v8, v42;
	v8 =	vmax.f32 v8, v42  }
0x8b: {  	v47 =	vld [tilespmem:s10+$0x0];
	v46 =	vmin.f32 v10, v45;
	v10 =	vmax.f32 v10, v45;
	v49 =	vmin.f32 v7, v39  }
0x8c: {  	s14 =	sor.u32 s0, s17;
	v7 =	vmax.f32 v7, v39;
	v9 =	vmax.f32 v9, v44;
	v48 =	vmin.f32 v8, v46  }
0x8d: {  	v51 =	vld [tilespmem:s14+$0x0];
	v8 =	vmax.f32 v8, v46;
	v50 =	vmin.f32 v10, v49;
	v10 =	vmax.f32 v10, v49  }
0x8e: {  	v53 =	vmin.f32 v7, v43;
	v7 =	vmax.f32 v7, v43;
	v9 =	vmax.f32 v9, v48  }
0x8f: {  	s10 =	sor.u32 s0, s21;
	v52 =	vmin.f32 v8, v50;
	v8 =	vmax.f32 v8, v50;
	v54 =	vmin.f32 v10, v53  }
0x90: {  	v55 =	vld [tilespmem:s10+$0x0];
	v10 =	vmax.f32 v10, v53;
	v57 =	vmin.f32 v7, v47;
	v7 =	vmax.f32 v7, v47  }
0x91: {  	s14 =	sor.u32 s0, s22;
	v9 =	vmax.f32 v9, v52;
	v56 =	vmin.f32 v8, v54;
	v8 =	vmax.f32 v8, v54  }
0x92: {  	v59 =	vld [tilespmem:s14+$0x0];
	v58 =	vmin.f32 v10, v57;
	v10 =	vmax.f32 v10, v57;
	v61 =	vmin.f32 v7, v51  }
0x93: {  	s10 =	sor.u32 s0, s20;
	v7 =	vmax.f32 v7, v51;
	v9 =	vmax.f32 v9, v56;
	v60 =	vmin.f32 v8, v58  }
0x94: {  	v63 =	vld [tilespmem:s10+$0x0];
	v8 =	vmax.f32 v8, v58;
	v62 =	vmin.f32 v10, v61;
	v10 =	vmax.f32 v10, v61  }
0x95: {  	s14 =	sor.u32 s0, s25;
	v20 =	vmin.f32 v7, v55;
	v7 =	vmax.f32 v7, v55;
	v9 =	vmax.f32 v9, v60  }
0x96: {  	s10 =	sor.u32 s0, s26;
	v22 =	vld [tilespmem:s14+$0x0];
	v19 =	vmin.f32 v8, v62;
	v8 =	vmax.f32 v8, v62;
	v21 =	vmin.f32 v10, v20  }
0x97: {  	s14 =	sor.u32 s0, s24;
	v26 =	vld [tilespmem:s10+$0x0];
	v10 =	vmax.f32 v10, v20;
	v24 =	vmin.f32 v7, v59;
	v7 =	vmax.f32 v7, v59  }
0x98: {  	v30 =	vld [tilespmem:s14+$0x0];
	s14 =	sor.u32 s0, s30;
	v9 =	vmax.f32 v9, v19;
	v23 =	vmin.f32 v8, v21;
	v8 =	vmax.f32 v8, v21  }
0x99: {  	s10 =	sor.u32 s0, s28;
	v38 =	vld [tilespmem:s14+$0x0];
	s14 =	rddreg [dreg:$0x8];
	v25 =	vmin.f32 v10, v24;
	v10 =	vmax.f32 v10, v24;
	v28 =	vmin.f32 v7, v63  }
0x9a: {  	v34 =	vld [tilespmem:s10+$0x0];
	s10 =	sor.u32 s0, s14;
	v7 =	vmax.f32 v7, v63;
	v9 =	vmax.f32 v9, v23;
	v27 =	vmin.f32 v8, v25  }
0x9b: {  	v42 =	vld [tilespmem:s10+$0x0];
	s10 =	sor.u32 s0, s29;
	s0 =	sor.u32 s0, s31;
	v8 =	vmax.f32 v8, v25;
	v29 =	vmin.f32 v10, v28;
	v10 =	vmax.f32 v10, v28  }
0x9c: {  	v50 =	vld [tilespmem:s0+$0x0];
	s0 =	sor.u32 $0x20, s3;
	v32 =	vmin.f32 v7, v22;
	v7 =	vmax.f32 v7, v22;
	v9 =	vmax.f32 v9, v27  }
0x9d: {  	v46 =	vld [tilespmem:s10+$0x0];
	s10 =	sor.u32 s0, s6;
	v31 =	vmin.f32 v8, v29;
	v8 =	vmax.f32 v8, v29;
	v33 =	vmin.f32 v10, v32  }
0x9e: {  	v60 =	vld [tilespmem:s10+$0x0];
	v10 =	vmax.f32 v10, v32;
	v36 =	vmin.f32 v7, v26;
	v7 =	vmax.f32 v7, v26  }
0x9f: {  	v61 =	vld [tilespmem:s10+$0x80];
	v9 =	vmax.f32 v9, v31;
	v35 =	vmin.f32 v8, v33;
	v8 =	vmax.f32 v8, v33  }
0xa0: {  	v37 =	vmin.f32 v10, v36;
	v10 =	vmax.f32 v10, v36;
	v40 =	vmin.f32 v7, v30  }
0xa1: {  	v7 =	vmax.f32 v7, v30;
	v9 =	vmax.f32 v9, v35;
	v39 =	vmin.f32 v8, v37  }
0xa2: {  	v62 =	vld [tilespmem:s10+$0x100];
	v8 =	vmax.f32 v8, v37;
	v41 =	vmin.f32 v10, v40;
	v10 =	vmax.f32 v10, v40  }
0xa3: {  	v44 =	vmin.f32 v7, v34;
	v7 =	vmax.f32 v7, v34;
	v21 =	vmin.f32 v60, $-Inf  }
0xa4: {  	v22 =	vmin.f32 v60, v61;
	v11 =	vmax.f32 v60, v61;
	v9 =	vmax.f32 v9, v39  }
0xa5: {  	v43 =	vmin.f32 v8, v41;
	v8 =	vmax.f32 v8, v41;
	v45 =	vmin.f32 v10, v44  }
0xa6: {  	v63 =	vld [tilespmem:s10+$0x180];
	v10 =	vmax.f32 v10, v44;
	v48 =	vmin.f32 v7, v38;
	v7 =	vmax.f32 v7, v38  }
0xa7: {  	v23 =	vmin.f32 v21, v22;
	v16 =	vmax.f32 v21, v22;
	v24 =	vmin.f32 v11, v62  }
0xa8: {  	s10 =	rddreg [dreg:$0x9];
	v11 =	vmax.f32 v11, v62;
	v9 =	vmax.f32 v9, v43;
	v47 =	vmin.f32 v8, v45  }
0xa9: {  	s10 =	sadd.s32 $0xFFFFFFF0, s10;
	v8 =	vmax.f32 v8, v45;
	v49 =	vmin.f32 v10, v48;
	v10 =	vmax.f32 v10, v48  }
0xaa: {  	s12 =	sor.u32 $0x200, s10;
	v52 =	vmin.f32 v7, v42;
	v7 =	vmax.f32 v7, v42;
	v25 =	vmin.f32 v16, v24  }
0xab: {  	v17 =	vld [tilespmem:s12+$0x0];
	v19 =	vmin.f32 v11, v63;
	v11 =	vmax.f32 v11, v63;
	v9 =	vmax.f32 v9, v47  }
0xac: {  	v51 =	vmin.f32 v8, v49;
	v8 =	vmax.f32 v8, v49;
	v53 =	vmin.f32 v10, v52  }
0xad: {  	s12 =	sor.u32 $0x280, s10;
	v10 =	vmax.f32 v10, v52;
	v54 =	vmin.f32 v7, v46;
	v7 =	vmax.f32 v7, v46  }
0xae: {  	v26 =	vld [tilespmem:s12+$0x0];
	v9 =	vmax.f32 v9, v51;
	v13 =	vmin.f32 v8, v53;
	v8 =	vmax.f32 v8, v53  }
0xaf: {  	v55 =	vmin.f32 v10, v54;
	v10 =	vmax.f32 v10, v54;
	v57 =	vmin.f32 v7, v50  }
0xb0: {  	v7 =	vmax.f32 v7, v50;
	v20 =	vmin.f32 v11, v17;
	v11 =	vmax.f32 v11, v17  }
0xb1: {  	s12 =	sor.u32 $0x300, s10;
	v9 =	vmax.f32 v9, v13;
	v56 =	vmin.f32 v8, v55;
	v8 =	vmax.f32 v8, v55  }
0xb2: {  	v28 =	vld [tilespmem:s12+$0x0];
	v58 =	vmin.f32 v10, v57;
	v10 =	vmax.f32 v10, v57;
	vm9 =	vlt.f32 v7, $-Inf  }
0xb3: {  	vm10 =	vgt.f32 v7, $-Inf;
	v13 =	vmax.f32 v16, v24;
	v33 =	vmin.f32 v11, v26  }
0xb4: {  	s10 =	sor.u32 $0x380, s10;
	v11 =	vmax.f32 v11, v26;
	v9 =	vmax.f32 v9, v56;
	v59 =	vmin.f32 v8, v58  }
0xb5: {  	v31 =	vld [tilespmem:s10+$0x0];
	v8 =	vmax.f32 v8, v58;
	vm0 =	vmor vm10, vm9;
	vm11 =	vlt.f32 v10, $-Inf  }
0xb6: {  	vm12 =	vgt.f32 v10, $-Inf;
	v27 =	vmin.f32 v13, v19;
	v13 =	vmax.f32 v13, v19  }
0xb7: {  	s12 =	sor.u32 s0, s1;
	v37 =	vmin.f32 v11, v28;
	v11 =	vmax.f32 v11, v28;
	v12 =	vmax.f32 v9, v59  }
0xb8: {  	v35 =	vld [tilespmem:s12+$0x0];
	vm1 =	vmor vm12, vm11;
	vm13 =	vlt.f32 v8, $-Inf;
	vm3 =	vgt.f32 v8, $-Inf  }
0xb9: {  	v9 =	vsel vm0, $0x1, v0;
	v30 =	vmin.f32 v13, v20;
	v13 =	vmax.f32 v13, v20  }
0xba: {  	s12 =	sor.u32 s0, s4;
	v41 =	vmin.f32 v11, v31;
	v11 =	vmax.f32 v11, v31;
	v7 =	vsel vm1, $0x1, v0  }
0xbb: {  	v39 =	vld [tilespmem:s12+$0x0];
	vm14 =	vmor vm3, vm13;
	vm15 =	vlt.f32 v12, $-Inf;
	vm4 =	vgt.f32 v12, $-Inf  }
0xbc: {  	v12 =	vmax.f32 v21, v23;
	v34 =	vmin.f32 v13, v33;
	v13 =	vmax.f32 v13, v33  }
0xbd: {  	s12 =	sor.u32 s0, s5;
	v45 =	vmin.f32 v11, v35;
	v11 =	vmax.f32 v11, v35;
	v3 =	vadd.s32 v9, v3  }
0xbe: {  	v43 =	vld [tilespmem:s12+$0x0];
	v8 =	vsel vm14, $0x1, v0;
	vm0 =	vmor vm4, vm15;
	v18 =	vmin.f32 v12, v25  }
0xbf: {  	s12 =	sor.u32 s0, s2;
	v14 =	vmax.f32 v12, v25;
	v38 =	vmin.f32 v13, v37;
	v13 =	vmax.f32 v13, v37  }
0xc0: {  	v47 =	vld [tilespmem:s12+$0x0];
	v49 =	vmin.f32 v11, v39;
	v11 =	vmax.f32 v11, v39;
	v3 =	vadd.s32 v7, v3  }
0xc1: {  	v10 =	vsel vm0, $0x1, v0;
	v12 =	vmax.f32 v12, v18;
	v29 =	vmin.f32 v14, v27  }
0xc2: {  	s12 =	sor.u32 s0, s8;
	v14 =	vmax.f32 v14, v27;
	v42 =	vmin.f32 v13, v41;
	v13 =	vmax.f32 v13, v41  }
0xc3: {  	v51 =	vld [tilespmem:s12+$0x0];
	v53 =	vmin.f32 v11, v43;
	v11 =	vmax.f32 v11, v43;
	v3 =	vadd.s32 v8, v3  }
0xc4: {  	s12 =	sor.u32 s0, s9;
	v12 =	vmax.f32 v12, v29;
	v32 =	vmin.f32 v14, v30;
	v14 =	vmax.f32 v14, v30  }
0xc5: {  	v55 =	vld [tilespmem:s12+$0x0];
	v46 =	vmin.f32 v13, v45;
	v13 =	vmax.f32 v13, v45;
	v57 =	vmin.f32 v11, v47  }
0xc6: {  	s12 =	sor.u32 s0, s7;
	v11 =	vmax.f32 v11, v47;
	v12 =	vmax.f32 v12, v32;
	v36 =	vmin.f32 v14, v34  }
0xc7: {  	v59 =	vld [tilespmem:s12+$0x0];
	v14 =	vmax.f32 v14, v34;
	v50 =	vmin.f32 v13, v49;
	v13 =	vmax.f32 v13, v49  }
0xc8: {  	v61 =	vmin.f32 v11, v51;
	v11 =	vmax.f32 v11, v51;
	v12 =	vmax.f32 v12, v36  }
0xc9: {  	s12 =	sor.u32 s0, s15;
	v40 =	vmin.f32 v14, v38;
	v14 =	vmax.f32 v14, v38;
	v54 =	vmin.f32 v13, v53  }
0xca: {  	v63 =	vld [tilespmem:s12+$0x0];
	v13 =	vmax.f32 v13, v53;
	v25 =	vmin.f32 v11, v55;
	v11 =	vmax.f32 v11, v55  }
0xcb: {  	s12 =	sor.u32 s0, s16;
	v12 =	vmax.f32 v12, v40;
	v44 =	vmin.f32 v14, v42;
	v14 =	vmax.f32 v14, v42  }
0xcc: {  	v27 =	vld [tilespmem:s12+$0x0];
	v58 =	vmin.f32 v13, v57;
	v13 =	vmax.f32 v13, v57;
	v29 =	vmin.f32 v11, v59  }
0xcd: {  	s12 =	sor.u32 s0, s13;
	v11 =	vmax.f32 v11, v59;
	v12 =	vmax.f32 v12, v44;
	v48 =	vmin.f32 v14, v46  }
0xce: {  	v31 =	vld [tilespmem:s12+$0x0];
	v14 =	vmax.f32 v14, v46;
	v62 =	vmin.f32 v13, v61;
	v13 =	vmax.f32 v13, v61  }
0xcf: {  	v33 =	vmin.f32 v11, v63;
	v11 =	vmax.f32 v11, v63;
	v12 =	vmax.f32 v12, v48  }
0xd0: {  	s12 =	sor.u32 s0, s18;
	v52 =	vmin.f32 v14, v50;
	v14 =	vmax.f32 v14, v50;
	v26 =	vmin.f32 v13, v25  }
0xd1: {  	v35 =	vld [tilespmem:s12+$0x0];
	v13 =	vmax.f32 v13, v25;
	v37 =	vmin.f32 v11, v27;
	v11 =	vmax.f32 v11, v27  }
0xd2: {  	s12 =	sor.u32 s0, s19;
	v12 =	vmax.f32 v12, v52;
	v56 =	vmin.f32 v14, v54;
	v14 =	vmax.f32 v14, v54  }
0xd3: {  	v39 =	vld [tilespmem:s12+$0x0];
	v30 =	vmin.f32 v13, v29;
	v13 =	vmax.f32 v13, v29;
	v41 =	vmin.f32 v11, v31  }
0xd4: {  	s12 =	sor.u32 s0, s17;
	v11 =	vmax.f32 v11, v31;
	v12 =	vmax.f32 v12, v56;
	v60 =	vmin.f32 v14, v58  }
0xd5: {  	v43 =	vld [tilespmem:s12+$0x0];
	v14 =	vmax.f32 v14, v58;
	v34 =	vmin.f32 v13, v33;
	v13 =	vmax.f32 v13, v33  }
0xd6: {  	v45 =	vmin.f32 v11, v35;
	v11 =	vmax.f32 v11, v35;
	v12 =	vmax.f32 v12, v60  }
0xd7: {  	s12 =	sor.u32 s0, s21;
	v24 =	vmin.f32 v14, v62;
	v14 =	vmax.f32 v14, v62;
	v38 =	vmin.f32 v13, v37  }
0xd8: {  	v47 =	vld [tilespmem:s12+$0x0];
	v13 =	vmax.f32 v13, v37;
	v49 =	vmin.f32 v11, v39;
	v11 =	vmax.f32 v11, v39  }
0xd9: {  	s12 =	sor.u32 s0, s22;
	v12 =	vmax.f32 v12, v24;
	v28 =	vmin.f32 v14, v26;
	v14 =	vmax.f32 v14, v26  }
0xda: {  	v51 =	vld [tilespmem:s12+$0x0];
	v42 =	vmin.f32 v13, v41;
	v13 =	vmax.f32 v13, v41;
	v53 =	vmin.f32 v11, v43  }
0xdb: {  	s12 =	sor.u32 s0, s20;
	v11 =	vmax.f32 v11, v43;
	v12 =	vmax.f32 v12, v28;
	v32 =	vmin.f32 v14, v30  }
0xdc: {  	v55 =	vld [tilespmem:s12+$0x0];
	v14 =	vmax.f32 v14, v30;
	v46 =	vmin.f32 v13, v45;
	v13 =	vmax.f32 v13, v45  }
0xdd: {  	v57 =	vmin.f32 v11, v47;
	v11 =	vmax.f32 v11, v47;
	v12 =	vmax.f32 v12, v32  }
0xde: {  	s12 =	sor.u32 s0, s25;
	v36 =	vmin.f32 v14, v34;
	v14 =	vmax.f32 v14, v34;
	v50 =	vmin.f32 v13, v49  }
0xdf: {  	v59 =	vld [tilespmem:s12+$0x0];
	v13 =	vmax.f32 v13, v49;
	v61 =	vmin.f32 v11, v51;
	v11 =	vmax.f32 v11, v51  }
0xe0: {  	s12 =	sor.u32 s0, s26;
	v12 =	vmax.f32 v12, v36;
	v40 =	vmin.f32 v14, v38;
	v14 =	vmax.f32 v14, v38  }
0xe1: {  	v63 =	vld [tilespmem:s12+$0x0];
	v54 =	vmin.f32 v13, v53;
	v13 =	vmax.f32 v13, v53;
	v24 =	vmin.f32 v11, v55  }
0xe2: {  	s12 =	sor.u32 s0, s24;
	v11 =	vmax.f32 v11, v55;
	v12 =	vmax.f32 v12, v40;
	v44 =	vmin.f32 v14, v42  }
0xe3: {  	v26 =	vld [tilespmem:s12+$0x0];
	v14 =	vmax.f32 v14, v42;
	v58 =	vmin.f32 v13, v57;
	v13 =	vmax.f32 v13, v57  }
0xe4: {  	v28 =	vmin.f32 v11, v59;
	v11 =	vmax.f32 v11, v59;
	v12 =	vmax.f32 v12, v44  }
0xe5: {  	s12 =	sor.u32 s0, s28;
	v48 =	vmin.f32 v14, v46;
	v14 =	vmax.f32 v14, v46;
	v62 =	vmin.f32 v13, v61  }
0xe6: {  	v30 =	vld [tilespmem:s12+$0x0];
	v13 =	vmax.f32 v13, v61;
	v32 =	vmin.f32 v11, v63;
	v11 =	vmax.f32 v11, v63  }
0xe7: {  	s12 =	sor.u32 s0, s30;
	v12 =	vmax.f32 v12, v48;
	v52 =	vmin.f32 v14, v50;
	v14 =	vmax.f32 v14, v50  }
0xe8: {  	v34 =	vld [tilespmem:s12+$0x0];
	v25 =	vmin.f32 v13, v24;
	v13 =	vmax.f32 v13, v24;
	v36 =	vmin.f32 v11, v26  }
0xe9: {  	s12 =	sor.u32 s0, s14;
	v11 =	vmax.f32 v11, v26;
	v12 =	vmax.f32 v12, v52;
	v56 =	vmin.f32 v14, v54  }
0xea: {  	v38 =	vld [tilespmem:s12+$0x0];
	v14 =	vmax.f32 v14, v54;
	v29 =	vmin.f32 v13, v28;
	v13 =	vmax.f32 v13, v28  }
0xeb: {  	s12 =	sor.u32 s0, s29;
	v40 =	vmin.f32 v11, v30;
	v11 =	vmax.f32 v11, v30;
	v12 =	vmax.f32 v12, v56  }
0xec: {  	s0 =	sor.u32 s0, s31;
	v42 =	vld [tilespmem:s12+$0x0];
	v60 =	vmin.f32 v14, v58;
	v14 =	vmax.f32 v14, v58;
	v33 =	vmin.f32 v13, v32  }
0xed: {  	v47 =	vld [tilespmem:s0+$0x0];
	s0 =	sor.u32 $0x30, s3;
	v13 =	vmax.f32 v13, v32;
	v44 =	vmin.f32 v11, v34;
	v11 =	vmax.f32 v11, v34  }
0xee: {  	s3 =	sor.u32 s0, s6;
	v12 =	vmax.f32 v12, v60;
	v23 =	vmin.f32 v14, v62;
	v14 =	vmax.f32 v14, v62  }
0xef: {  	v55 =	vld [tilespmem:s3+$0x0];
	v37 =	vmin.f32 v13, v36;
	v13 =	vmax.f32 v13, v36;
	v48 =	vmin.f32 v11, v38  }
0xf0: {  	v57 =	vld [tilespmem:s3+$0x80];
	v11 =	vmax.f32 v11, v38;
	v12 =	vmax.f32 v12, v23;
	v27 =	vmin.f32 v14, v25  }
0xf1: {  	v14 =	vmax.f32 v14, v25;
	v41 =	vmin.f32 v13, v40;
	v13 =	vmax.f32 v13, v40  }
0xf2: {  	v51 =	vmin.f32 v11, v42;
	v11 =	vmax.f32 v11, v42;
	v12 =	vmax.f32 v12, v27  }
0xf3: {  	v31 =	vmin.f32 v14, v29;
	v14 =	vmax.f32 v14, v29;
	v45 =	vmin.f32 v13, v44  }
0xf4: {  	v59 =	vld [tilespmem:s3+$0x100];
	v13 =	vmax.f32 v13, v44;
	v54 =	vmin.f32 v11, v47;
	v11 =	vmax.f32 v11, v47  }
0xf5: {  	v61 =	vmin.f32 v55, $-Inf;
	v62 =	vmin.f32 v55, v57;
	v22 =	vmax.f32 v55, v57  }
0xf6: {  	v12 =	vmax.f32 v12, v31;
	v35 =	vmin.f32 v14, v33;
	v14 =	vmax.f32 v14, v33  }
0xf7: {  	v49 =	vmin.f32 v13, v48;
	v13 =	vmax.f32 v13, v48;
	vm5 =	vlt.f32 v11, $-Inf  }
0xf8: {  	vm6 =	vgt.f32 v11, $-Inf;
	v23 =	vmin.f32 v61, v62;
	v15 =	vmax.f32 v61, v62  }
0xf9: {  	v24 =	vmin.f32 v22, v59;
	v12 =	vmax.f32 v12, v35;
	v39 =	vmin.f32 v14, v37  }
0xfa: {  	v14 =	vmax.f32 v14, v37;
	v52 =	vmin.f32 v13, v51;
	v13 =	vmax.f32 v13, v51  }
0xfb: {  	vm0 =	vmor vm6, vm5;
	v25 =	vmin.f32 v15, v24;
	v15 =	vmax.f32 v15, v24  }
0xfc: {  	v12 =	vmax.f32 v12, v39;
	v43 =	vmin.f32 v14, v41;
	v14 =	vmax.f32 v14, v41  }
0xfd: {  	v56 =	vmin.f32 v13, v54;
	v13 =	vmax.f32 v13, v54;
	v11 =	vsel vm0, $0x1, v0  }
0xfe: {  	s10 =	rddreg [dreg:$0x6];
	v12 =	vmax.f32 v12, v43;
	v46 =	vmin.f32 v14, v45;
	v14 =	vmax.f32 v14, v45  }
0xff: {  	s12 =	rddreg [dreg:$0x7];
	vm7 =	vlt.f32 v13, $-Inf;
	vm8 =	vgt.f32 v13, $-Inf;
	v2 =	vadd.s32 v11, v2  }
0x100: {  	s6 =	sadd.s32 s12, s10;
	v12 =	vmax.f32 v12, v46;
	v50 =	vmin.f32 v14, v49;
	v14 =	vmax.f32 v14, v49  }
0x101: {  	v60 =	vld [tilespmem:s3+$0x180];
	s3 =	sadd.s32 $0x30, s6;
	vm1 =	vmor vm8, vm7;
	v53 =	vmin.f32 v14, v52;
	v14 =	vmax.f32 v14, v52  }
0x102: {  	s6 =	sor.u32 $0x200, s3;
	v12 =	vmax.f32 v12, v50;
	v58 =	vmin.f32 v14, v56;
	v14 =	vmax.f32 v14, v56  }
0x103: {  	v63 =	vld [tilespmem:s6+$0x0];
	v12 =	vmax.f32 v12, v53;
	vm9 =	vlt.f32 v14, $-Inf;
	vm10 =	vgt.f32 v14, $-Inf  }
0x104: {  	s12 =	sor.u32 $0x280, s3;
	v12 =	vmax.f32 v12, v58;
	v14 =	vmax.f32 v61, v23;
	vm11 =	vmor vm10, vm9  }
0x105: {  	v26 =	vld [tilespmem:s12+$0x0];
	vm12 =	vlt.f32 v12, $-Inf;
	vm13 =	vgt.f32 v12, $-Inf;
	v12 =	vmax.f32 v22, v59  }
0x106: {  	s10 =	sor.u32 $0x300, s3;
	v27 =	vmin.f32 v14, v25;
	v17 =	vmax.f32 v14, v25;
	v28 =	vmin.f32 v12, v60  }
0x107: {  	v30 =	vld [tilespmem:s10+$0x0];
	v14 =	vmax.f32 v14, v27;
	v12 =	vmax.f32 v12, v60;
	v29 =	vmin.f32 v15, v28  }
0x108: {  	v15 =	vmax.f32 v15, v28;
	v21 =	vmin.f32 v12, v63;
	v12 =	vmax.f32 v12, v63  }
0x109: {  	s3 =	sor.u32 $0x380, s3;
	v31 =	vmin.f32 v17, v29;
	v13 =	vmax.f32 v17, v29;
	v32 =	vmin.f32 v15, v21  }
0x10a: {  	v33 =	vld [tilespmem:s3+$0x0];
	v15 =	vmax.f32 v15, v21;
	v35 =	vmin.f32 v12, v26;
	v12 =	vmax.f32 v12, v26  }
0x10b: {  	s12 =	sor.u32 s0, s1;
	v14 =	vmax.f32 v14, v31;
	v34 =	vmin.f32 v13, v32;
	v13 =	vmax.f32 v13, v32  }
0x10c: {  	v37 =	vld [tilespmem:s12+$0x0];
	v36 =	vmin.f32 v15, v35;
	v15 =	vmax.f32 v15, v35;
	v39 =	vmin.f32 v12, v30  }
0x10d: {  	s1 =	sor.u32 s0, s4;
	v12 =	vmax.f32 v12, v30;
	v14 =	vmax.f32 v14, v34;
	v38 =	vmin.f32 v13, v36  }
0x10e: {  	v41 =	vld [tilespmem:s1+$0x0];
	v13 =	vmax.f32 v13, v36;
	v40 =	vmin.f32 v15, v39;
	v15 =	vmax.f32 v15, v39  }
0x10f: {  	v43 =	vmin.f32 v12, v33;
	v12 =	vmax.f32 v12, v33;
	v14 =	vmax.f32 v14, v38  }
0x110: {  	s4 =	sor.u32 s0, s5;
	v42 =	vmin.f32 v13, v40;
	v13 =	vmax.f32 v13, v40;
	v44 =	vmin.f32 v15, v43  }
0x111: {  	v45 =	vld [tilespmem:s4+$0x0];
	v15 =	vmax.f32 v15, v43;
	v47 =	vmin.f32 v12, v37;
	v12 =	vmax.f32 v12, v37  }
0x112: {  	s5 =	sor.u32 s0, s2;
	v14 =	vmax.f32 v14, v42;
	v46 =	vmin.f32 v13, v44;
	v13 =	vmax.f32 v13, v44  }
0x113: {  	v49 =	vld [tilespmem:s5+$0x0];
	v48 =	vmin.f32 v15, v47;
	v15 =	vmax.f32 v15, v47;
	v51 =	vmin.f32 v12, v41  }
0x114: {  	s6 =	sor.u32 s0, s8;
	v12 =	vmax.f32 v12, v41;
	v14 =	vmax.f32 v14, v46;
	v50 =	vmin.f32 v13, v48  }
0x115: {  	v53 =	vld [tilespmem:s6+$0x0];
	v13 =	vmax.f32 v13, v48;
	v52 =	vmin.f32 v15, v51;
	v15 =	vmax.f32 v15, v51  }
0x116: {  	v55 =	vmin.f32 v12, v45;
	v12 =	vmax.f32 v12, v45;
	v14 =	vmax.f32 v14, v50  }
0x117: {  	s8 =	sor.u32 s0, s9;
	v54 =	vmin.f32 v13, v52;
	v13 =	vmax.f32 v13, v52;
	v56 =	vmin.f32 v15, v55  }
0x118: {  	v57 =	vld [tilespmem:s8+$0x0];
	v15 =	vmax.f32 v15, v55;
	v59 =	vmin.f32 v12, v49;
	v12 =	vmax.f32 v12, v49  }
0x119: {  	s9 =	sor.u32 s0, s7;
	v14 =	vmax.f32 v14, v54;
	v58 =	vmin.f32 v13, v56;
	v13 =	vmax.f32 v13, v56  }
0x11a: {  	v61 =	vld [tilespmem:s9+$0x0];
	v60 =	vmin.f32 v15, v59;
	v15 =	vmax.f32 v15, v59;
	v63 =	vmin.f32 v12, v53  }
0x11b: {  	s10 =	sor.u32 s0, s15;
	v12 =	vmax.f32 v12, v53;
	v14 =	vmax.f32 v14, v58;
	v62 =	vmin.f32 v13, v60  }
0x11c: {  	v25 =	vld [tilespmem:s10+$0x0];
	v13 =	vmax.f32 v13, v60;
	v24 =	vmin.f32 v15, v63;
	v15 =	vmax.f32 v15, v63  }
0x11d: {  	v27 =	vmin.f32 v12, v57;
	v12 =	vmax.f32 v12, v57;
	v14 =	vmax.f32 v14, v62  }
0x11e: {  	s12 =	sor.u32 s0, s16;
	v26 =	vmin.f32 v13, v24;
	v13 =	vmax.f32 v13, v24;
	v28 =	vmin.f32 v15, v27  }
0x11f: {  	v29 =	vld [tilespmem:s12+$0x0];
	v15 =	vmax.f32 v15, v27;
	v31 =	vmin.f32 v12, v61;
	v12 =	vmax.f32 v12, v61  }
0x120: {  	s13 =	sor.u32 s0, s13;
	v14 =	vmax.f32 v14, v26;
	v30 =	vmin.f32 v13, v28;
	v13 =	vmax.f32 v13, v28  }
0x121: {  	v33 =	vld [tilespmem:s13+$0x0];
	v32 =	vmin.f32 v15, v31;
	v15 =	vmax.f32 v15, v31;
	v35 =	vmin.f32 v12, v25  }
0x122: {  	s15 =	sor.u32 s0, s18;
	v12 =	vmax.f32 v12, v25;
	v14 =	vmax.f32 v14, v30;
	v34 =	vmin.f32 v13, v32  }
0x123: {  	v37 =	vld [tilespmem:s15+$0x0];
	v13 =	vmax.f32 v13, v32;
	v36 =	vmin.f32 v15, v35;
	v15 =	vmax.f32 v15, v35  }
0x124: {  	v39 =	vmin.f32 v12, v29;
	v12 =	vmax.f32 v12, v29;
	v14 =	vmax.f32 v14, v34  }
0x125: {  	s16 =	sor.u32 s0, s19;
	v38 =	vmin.f32 v13, v36;
	v13 =	vmax.f32 v13, v36;
	v40 =	vmin.f32 v15, v39  }
0x126: {  	v41 =	vld [tilespmem:s16+$0x0];
	v15 =	vmax.f32 v15, v39;
	v43 =	vmin.f32 v12, v33;
	v12 =	vmax.f32 v12, v33  }
0x127: {  	s17 =	sor.u32 s0, s17;
	v14 =	vmax.f32 v14, v38;
	v42 =	vmin.f32 v13, v40;
	v13 =	vmax.f32 v13, v40  }
0x128: {  	v45 =	vld [tilespmem:s17+$0x0];
	v44 =	vmin.f32 v15, v43;
	v15 =	vmax.f32 v15, v43;
	v47 =	vmin.f32 v12, v37  }
0x129: {  	s18 =	sor.u32 s0, s21;
	v12 =	vmax.f32 v12, v37;
	v14 =	vmax.f32 v14, v42;
	v46 =	vmin.f32 v13, v44  }
0x12a: {  	v49 =	vld [tilespmem:s18+$0x0];
	v13 =	vmax.f32 v13, v44;
	v48 =	vmin.f32 v15, v47;
	v15 =	vmax.f32 v15, v47  }
0x12b: {  	v51 =	vmin.f32 v12, v41;
	v12 =	vmax.f32 v12, v41;
	v14 =	vmax.f32 v14, v46  }
0x12c: {  	s19 =	sor.u32 s0, s22;
	v50 =	vmin.f32 v13, v48;
	v13 =	vmax.f32 v13, v48;
	v52 =	vmin.f32 v15, v51  }
0x12d: {  	v53 =	vld [tilespmem:s19+$0x0];
	v15 =	vmax.f32 v15, v51;
	v55 =	vmin.f32 v12, v45;
	v12 =	vmax.f32 v12, v45  }
0x12e: {  	v14 =	vmax.f32 v14, v50;
	v54 =	vmin.f32 v13, v52;
	v13 =	vmax.f32 v13, v52  }
0x12f: {  	s20 =	sor.u32 s0, s20;
	v56 =	vmin.f32 v15, v55;
	v15 =	vmax.f32 v15, v55;
	v59 =	vmin.f32 v12, v49  }
0x130: {  	v57 =	vld [tilespmem:s20+$0x0];
	v12 =	vmax.f32 v12, v49;
	v14 =	vmax.f32 v14, v54;
	v58 =	vmin.f32 v13, v56  }
0x131: {  	v13 =	vmax.f32 v13, v56;
	v60 =	vmin.f32 v15, v59;
	v15 =	vmax.f32 v15, v59  }
0x132: {  	s21 =	sor.u32 s0, s25;
	v63 =	vmin.f32 v12, v53;
	v12 =	vmax.f32 v12, v53;
	v59 =	vsel vm1, $0x1, v0  }
0x133: {  	v61 =	vld [tilespmem:s21+$0x0];
	vm1 =	vmor vm13, vm12;
	v14 =	vmax.f32 v14, v58;
	v62 =	vmin.f32 v13, v60  }
0x134: {  	s22 =	sor.u32 s0, s26;
	v13 =	vmax.f32 v13, v60;
	v24 =	vmin.f32 v15, v63;
	v15 =	vmax.f32 v15, v63  }
0x135: {  	v25 =	vld [tilespmem:s22+$0x0];
	v27 =	vmin.f32 v12, v57;
	v12 =	vmax.f32 v12, v57;
	v60 =	vsel vm11, $0x1, v0  }
0x136: {  	v2 =	vadd.s32 v59, v2;
	v5 =	vsel vm1, $0x1, v0;
	v14 =	vmax.f32 v14, v62  }
0x137: {  	s24 =	sor.u32 s0, s24;
	v26 =	vmin.f32 v13, v24;
	v13 =	vmax.f32 v13, v24;
	v28 =	vmin.f32 v15, v27  }
0x138: {  	v29 =	vld [tilespmem:s24+$0x0];
	v15 =	vmax.f32 v15, v27;
	v31 =	vmin.f32 v12, v61;
	v12 =	vmax.f32 v12, v61  }
0x139: {  	s25 =	sor.u32 s0, s28;
	v14 =	vmax.f32 v14, v26;
	v30 =	vmin.f32 v13, v28;
	v13 =	vmax.f32 v13, v28  }
0x13a: {  	v33 =	vld [tilespmem:s25+$0x0];
	v32 =	vmin.f32 v15, v31;
	v15 =	vmax.f32 v15, v31;
	v35 =	vmin.f32 v12, v25  }
0x13b: {  	s26 =	sor.u32 s0, s30;
	v12 =	vmax.f32 v12, v25;
	v14 =	vmax.f32 v14, v30;
	v34 =	vmin.f32 v13, v32  }
0x13c: {  	v37 =	vld [tilespmem:s26+$0x0];
	v13 =	vmax.f32 v13, v32;
	v36 =	vmin.f32 v15, v35;
	v15 =	vmax.f32 v15, v35  }
0x13d: {  	v39 =	vmin.f32 v12, v29;
	v12 =	vmax.f32 v12, v29;
	v14 =	vmax.f32 v14, v34  }
0x13e: {  	s28 =	sor.u32 s0, s14;
	v38 =	vmin.f32 v13, v36;
	v13 =	vmax.f32 v13, v36;
	v40 =	vmin.f32 v15, v39  }
0x13f: {  	v41 =	vld [tilespmem:s28+$0x0];
	v15 =	vmax.f32 v15, v39;
	v43 =	vmin.f32 v12, v33;
	v12 =	vmax.f32 v12, v33  }
0x140: {  	s30 =	sor.u32 s0, s29;
	v14 =	vmax.f32 v14, v38;
	v42 =	vmin.f32 v13, v40;
	v13 =	vmax.f32 v13, v40  }
0x141: {  	v45 =	vld [tilespmem:s30+$0x0];
	v44 =	vmin.f32 v15, v43;
	v15 =	vmax.f32 v15, v43;
	v47 =	vmin.f32 v12, v37  }
0x142: {  	s0 =	sor.u32 s0, s31;
	v12 =	vmax.f32 v12, v37;
	v14 =	vmax.f32 v14, v42;
	v46 =	vmin.f32 v13, v44  }
0x143: {  	v49 =	vld [tilespmem:s0+$0x0];
	v13 =	vmax.f32 v13, v44;
	v48 =	vmin.f32 v15, v47;
	v15 =	vmax.f32 v15, v47  }
0x144: {  	v51 =	vmin.f32 v12, v41;
	v12 =	vmax.f32 v12, v41;
	v14 =	vmax.f32 v14, v46  }
0x145: {  	v50 =	vmin.f32 v13, v48;
	v13 =	vmax.f32 v13, v48;
	v52 =	vmin.f32 v15, v51  }
0x146: {  	v15 =	vmax.f32 v15, v51;
	v54 =	vmin.f32 v12, v45;
	v12 =	vmax.f32 v12, v45  }
0x147: {  	v14 =	vmax.f32 v14, v50;
	v53 =	vmin.f32 v13, v52;
	v13 =	vmax.f32 v13, v52  }
0x148: {  	v55 =	vmin.f32 v15, v54;
	v15 =	vmax.f32 v15, v54;
	v57 =	vmin.f32 v12, v49  }
0x149: {  	v12 =	vmax.f32 v12, v49;
	v14 =	vmax.f32 v14, v53;
	v56 =	vmin.f32 v13, v55  }
0x14a: {  	v13 =	vmax.f32 v13, v55;
	v58 =	vmin.f32 v15, v57;
	v15 =	vmax.f32 v15, v57  }
0x14b: {  	vm14 =	vlt.f32 v12, $-Inf;
	vm15 =	vgt.f32 v12, $-Inf;
	v14 =	vmax.f32 v14, v56  }
0x14c: {  	v17 =	vmin.f32 v13, v58;
	v13 =	vmax.f32 v13, v58;
	vm6 =	vmor vm15, vm14  }
0x14d: {  	vm7 =	vlt.f32 v15, $-Inf;
	vm8 =	vgt.f32 v15, $-Inf;
	v14 =	vmax.f32 v14, v17  }
0x14e: {  	p1 =	sne.s32 s11, $0x1E30;
	vm9 =	vmor vm8, vm7;
	vm10 =	vlt.f32 v13, $-Inf;
	vm11 =	vgt.f32 v13, $-Inf  }
.Ltmp0:
0x14f: {  	v61 =	vsel vm6, $0x1, v0;
	v62 =	vsel vm9, $0x1, v0;
	vm12 =	vmor vm11, vm10;
	(pc) =	sbr.rel @p1 .LBB2_2-.Ltmp0, $4  }
0x150: {  	vm13 =	vlt.f32 v14, $-Inf;
	vm14 =	vgt.f32 v14, $-Inf;
	v1 =	vadd.s32 v61, v1  }
0x151: {  	v63 =	vsel vm12, $0x1, v0;
	vm15 =	vmor vm14, vm13;
	v1 =	vadd.s32 v62, v1  }
0x152: {  	v2 =	vadd.s32 v60, v2;
	v1 =	vadd.s32 v63, v1;
	v6 =	vsel vm15, $0x1, v0  }
0x153: {  	p0 =	por !p0, !p0;
	s23 =	sadd.s32 $0x40, s23;
	s11 =	sadd.s32 $0x200, s11;
	v3 =	vadd.s32 v10, v3;
	v2 =	vadd.s32 v5, v2;
	v1 =	vadd.s32 v6, v1  }
0x154: {  	v3 =	vadd.s32 v4, v3  }
0x155: {  	v2 =	vadd.s32 v2, v3  }
0x156: {  	s4 =	simm.s32 $0x0;
	v1 =	vadd.s32 v1, v2  }
0x157: {  	s0 =	rddreg [dreg:$0x3];
	s1 =	simm.s32 $0x8000;
	s3 =	simm.s32 $0x1;
	[tilespmem:$0x8000] =	vst v1  }
0x158: {  	[hbm4b:s0+s4] =	stream.linear.scatter [tilespmem:s1], [sflag:$0x1], $0x80, $0x38;
	[tilespmem:$0x8080] =	vst v63  }
0x159: {  	_ =	swait.ge [sflag:s3], $0x80  }
0x15a: {  	s30 =	rddreg [dreg:$0x5]  }
0x15b: {  	s31 =	rddreg [dreg:$0x4];
	s1 =	sadd.s32 $0x1, s30  }
0x15c: {  	p0 =	sne.s32 s1, s31  }
.Ltmp1:
0x15d: {  	_ = 	snop;
	(pc) =	sbr.rel @p0 .LBB2_1-.Ltmp1, $3  }
0x15e: {  	_ =	sdelay $0x1  }
0x15f: {  	[sflag:s3] =	ssyncset.done $0x0  }
0x160: {  	[sflag:s3] =	ssyncadd.s32 $0xFFFFFF80  }
0x161: {  	_ =	sfence.sel $0x180000  }
0x162: {  	[bflag:$0x0] =	sbarrier.arrive $0xFFFF  }
0x163: {  	_ =	strace $0x90000047  }
0x164: {  	s0 =	stileid.u32;
	[bflag:$0x2] =	sbarrier.arrive $0xFFFF  }
0x165: {  	p0 =	sne.s32 s0, $0x0;
	s0 =	rddreg [dreg:$0x1]  }
0x166: {  	s0 =	sadd.s32 @!p0 $0x100000, s0  }
0x167: {  	[sflag:s0] =	ssyncadd.tile.s32 @!p0 $0x1;
	_ =	shalt  }
.Lfunc_end2:
_tile_overlayer_lowered:
.L_overlay_start_2:
0x168: {  	(tag) =	ssettag $0x2  }
0x169: {  	s0 =	rddreg [dreg:$0x0];
	s2 =	stileid.u32  }
0x16a: {  	s1 =	rddreg [dreg:$0x1];
	p0 =	sne.s32 s2, $0x0  }
0x16b: {  	s3 =	rddreg [dreg:$0x2];
	[bflag:$0x3] =	sbarrier.arrive $0xFFFF;
	s2 =	simm.s32 @!p0 $0x1C01  }
0x16c: {  	[timem:s3], [sflag:s2] =	dma.local @!p0 [hbm:s0], s1  }
0x16d: {  	s0 =	simm.s32 @!p0 $0x1  }
0x16e: {  	_ =	swait.ge @!p0 [sflag:s0], s1  }
0x16f: {  	s1 =	ssub.s32 @!p0 $0x0, s1;
	[sflag:s0] =	ssyncset.done @!p0 $0x0  }
0x170: {  	[sflag:s0] =	ssyncadd.s32 @!p0 s1  }
0x171: {  	[bflag:$0x3] =	sbarrier.arrive $0xFFFF  }
0x172: {  	_ =	shalt  }

</sc_bundles>
